<compile_context>
chip_gen: v7x
topology: tpu7x:2x2x1
jax: 0.10.2.dev20260603
libtpu: 0.0.44.dev20260713+nightly
codegen_flags: <defaults>
</compile_context>

<pallas_src>
import functools

import jax
import jax.numpy as jnp
from jax import lax
from jax.experimental import pallas as pl
from jax.experimental.pallas import tpu as pltpu
from jax.experimental.pallas import tpu_sc as plsc

NC = 2
NS = 16
L = 16
NW = NC * NS

B = 4096
D = 32
BPW = B // NW


def _complex_score_body(pos_hbm, er_hbm, ei_hbm, rr_hbm, ri_hbm, out_hbm,
                        pos_v, hi_v, ri_v, ti_v,
                        hre_v, him_v, rre_v, rim_v, tre_v, tim_v,
                        half_v, out_v, sems):
    wid = lax.axis_index("s") * NC + lax.axis_index("c")
    base = wid * BPW

    pltpu.sync_copy(pos_hbm.at[pl.ds(base * 3, BPW * 3)], pos_v)
    for g in range(BPW // L):
        rows3 = (g * L + lax.iota(jnp.int32, L)) * 3
        for c, dst in ((0, hi_v), (1, ri_v), (2, ti_v)):
            dst[pl.ds(g * L, L)] = plsc.load_gather(pos_v, [rows3 + c])

    copies = [
        pltpu.async_copy(er_hbm.at[hi_v], hre_v, sems[0]),
        pltpu.async_copy(ei_hbm.at[hi_v], him_v, sems[1]),
        pltpu.async_copy(rr_hbm.at[ri_v], rre_v, sems[2]),
        pltpu.async_copy(ri_hbm.at[ri_v], rim_v, sems[3]),
        pltpu.async_copy(er_hbm.at[ti_v], tre_v, sems[4]),
        pltpu.async_copy(ei_hbm.at[ti_v], tim_v, sems[5]),
    ]
    for cp in copies:
        cp.wait()

    def row_fn(i, carry):
        hr0 = hre_v[i, pl.ds(0, L)]
        hr1 = hre_v[i, pl.ds(L, L)]
        hi0 = him_v[i, pl.ds(0, L)]
        hi1 = him_v[i, pl.ds(L, L)]
        rr0 = rre_v[i, pl.ds(0, L)]
        rr1 = rre_v[i, pl.ds(L, L)]
        ri0 = rim_v[i, pl.ds(0, L)]
        ri1 = rim_v[i, pl.ds(L, L)]
        tr0 = tre_v[i, pl.ds(0, L)]
        tr1 = tre_v[i, pl.ds(L, L)]
        ti0 = tim_v[i, pl.ds(0, L)]
        ti1 = tim_v[i, pl.ds(L, L)]
        s0 = (hr0 * rr0 - hi0 * ri0) * tr0 + (hr0 * ri0 + hi0 * rr0) * ti0
        s1 = (hr1 * rr1 - hi1 * ri1) * tr1 + (hr1 * ri1 + hi1 * rr1) * ti1
        half_v[pl.ds(i * L, L)] = s0 + s1
        return carry

    lax.fori_loop(0, BPW, row_fn, 0)

    for g in range(BPW // L):
        rows16 = (g * L + lax.iota(jnp.int32, L)) * L
        acc = plsc.load_gather(half_v, [rows16])
        for j in range(1, L):
            acc = acc + plsc.load_gather(half_v, [rows16 + j])
        out_v[pl.ds(g * L, L)] = acc

    pltpu.sync_copy(out_v, out_hbm.at[pl.ds(base, BPW)])


@jax.jit
def _complex_score(pos_sample, ent_embd, ent_embd_im, rel_embd, rel_embd_im):
    mesh = plsc.VectorSubcoreMesh(
        core_axis_name="c", subcore_axis_name="s",
        num_cores=NC, num_subcores=NS)
    run = pl.kernel(
        _complex_score_body,
        out_type=jax.ShapeDtypeStruct((B,), jnp.float32),
        mesh=mesh,
        scratch_types=[
            pltpu.VMEM((BPW * 3,), jnp.int32),
            pltpu.VMEM((BPW,), jnp.int32),
            pltpu.VMEM((BPW,), jnp.int32),
            pltpu.VMEM((BPW,), jnp.int32),
            pltpu.VMEM((BPW, D), jnp.float32),
            pltpu.VMEM((BPW, D), jnp.float32),
            pltpu.VMEM((BPW, D), jnp.float32),
            pltpu.VMEM((BPW, D), jnp.float32),
            pltpu.VMEM((BPW, D), jnp.float32),
            pltpu.VMEM((BPW, D), jnp.float32),
            pltpu.VMEM((BPW * L,), jnp.float32),
            pltpu.VMEM((BPW,), jnp.float32),
            [pltpu.SemaphoreType.DMA] * 6,
        ],
        compiler_params=pltpu.CompilerParams(
            needs_layout_passes=False, use_tc_tiling_on_sc=False),
    )
    return run(pos_sample.reshape(-1), ent_embd, ent_embd_im,
               rel_embd, rel_embd_im)


def kernel(pos_sample, ent_embd, ent_embd_im, rel_embd, rel_embd_im):
    score = _complex_score(pos_sample, ent_embd, ent_embd_im,
                           rel_embd, rel_embd_im)
    return score.reshape(B, 1)

# --- scband reference (transcript-rebuilt; emitter-appended) ---
"""Pipeline reference for scband-compl-ex-31817117729415 (READ-ONLY COPY).

The authoritative reference and input builder live on the scoring server;
editing this copy changes nothing except your own understanding.
"""

import jax, jax.numpy as jnp
import numpy as np

ENT_NUM = 1000000
REL_NUM = 1000000
DIM = 32
BATCH = 4096


def setup_inputs(seed: int = 0) -> dict:
    key = jax.random.key(seed)
    k_idx, k_er, k_ei, k_rr, k_ri = jax.random.split(key, 5)
    pos_sample = jax.random.randint(k_idx, (BATCH, 3), 0, ENT_NUM, dtype=jnp.int64 if jax.config.jax_enable_x64 else jnp.int32).astype(jnp.int32)
    # xavier_uniform bound = sqrt(6/(fan_in+fan_out))
    b_ent = float(np.sqrt(6.0 / (ENT_NUM + DIM)))
    b_rel = float(np.sqrt(6.0 / (REL_NUM + DIM)))
    ent_embd = jax.random.uniform(k_er, (ENT_NUM, DIM), jnp.float32, -b_ent, b_ent)
    ent_embd_im = jax.random.uniform(k_ei, (ENT_NUM, DIM), jnp.float32, -b_ent, b_ent)
    rel_embd = jax.random.uniform(k_rr, (REL_NUM, DIM), jnp.float32, -b_rel, b_rel)
    rel_embd_im = jax.random.uniform(k_ri, (REL_NUM, DIM), jnp.float32, -b_rel, b_rel)
    return {
        "pos_sample": pos_sample,
        "ent_embd": ent_embd,
        "ent_embd_im": ent_embd_im,
        "rel_embd": rel_embd,
        "rel_embd_im": rel_embd_im,
    }


def reference(pos_sample, ent_embd, ent_embd_im, rel_embd, rel_embd_im):
    # ComplEx forward with neg_sample=None, mode=None (positive-triple scoring)
    h_idx = pos_sample[:, 0]
    r_idx = pos_sample[:, 1]
    t_idx = pos_sample[:, 2]
    h_re = jnp.take(ent_embd, h_idx, axis=0)[:, None, :]
    r_re = jnp.take(rel_embd, r_idx, axis=0)[:, None, :]
    t_re = jnp.take(ent_embd, t_idx, axis=0)[:, None, :]
    h_im = jnp.take(ent_embd_im, h_idx, axis=0)[:, None, :]
    r_im = jnp.take(rel_embd_im, r_idx, axis=0)[:, None, :]
    t_im = jnp.take(ent_embd_im, t_idx, axis=0)[:, None, :]
    score_re = h_re * r_re - h_im * r_im
    score_im = h_re * r_im + h_im * r_re
    score = score_re * t_re + score_im * t_im
    return jnp.sum(score, axis=-1)

if __name__ == "__main__":
    import jax
    _d = setup_inputs()
    print(jax.jit(kernel)(*tuple(_d.values())))

</pallas_src>

<mosaic_0001>
#map = affine_map<(d0, d1) -> (0)>
#map1 = affine_map<(d0, d1) -> (0, 0)>
module attributes {stable_mosaic.version = 14 : i64} {
  func.func @_complex_score_body(%arg0: i32, %arg1: i32, %arg2: memref<12288xi32, #tpu.memory_space<hbm>>, %arg3: memref<1000000x32xf32, #tpu.memory_space<hbm>>, %arg4: memref<1000000x32xf32, #tpu.memory_space<hbm>>, %arg5: memref<1000000x32xf32, #tpu.memory_space<hbm>>, %arg6: memref<1000000x32xf32, #tpu.memory_space<hbm>>, %arg7: memref<4096xf32, #tpu.memory_space<hbm>>, %arg8: memref<384xi32, #tpu.memory_space<vmem>>, %arg9: memref<128xi32, #tpu.memory_space<vmem>>, %arg10: memref<128xi32, #tpu.memory_space<vmem>>, %arg11: memref<128xi32, #tpu.memory_space<vmem>>, %arg12: memref<128x32xf32, #tpu.memory_space<vmem>>, %arg13: memref<128x32xf32, #tpu.memory_space<vmem>>, %arg14: memref<128x32xf32, #tpu.memory_space<vmem>>, %arg15: memref<128x32xf32, #tpu.memory_space<vmem>>, %arg16: memref<128x32xf32, #tpu.memory_space<vmem>>, %arg17: memref<128x32xf32, #tpu.memory_space<vmem>>, %arg18: memref<2048xf32, #tpu.memory_space<vmem>>, %arg19: memref<128xf32, #tpu.memory_space<vmem>>, %arg20: memref<!tpu.dma_semaphore, #tpu.memory_space<semaphore_mem>>, %arg21: memref<!tpu.dma_semaphore, #tpu.memory_space<semaphore_mem>>, %arg22: memref<!tpu.dma_semaphore, #tpu.memory_space<semaphore_mem>>, %arg23: memref<!tpu.dma_semaphore, #tpu.memory_space<semaphore_mem>>, %arg24: memref<!tpu.dma_semaphore, #tpu.memory_space<semaphore_mem>>, %arg25: memref<!tpu.dma_semaphore, #tpu.memory_space<semaphore_mem>>) attributes {dimension_semantics = [#tpu.dimension_semantics<core_parallel>, #tpu.dimension_semantics<subcore_parallel>], iteration_bounds = array<i64: 2, 16>, scalar_prefetch = 0 : i64, scratch_operands = 18 : i64, tpu.core_type = #tpu.core_type<sc_vector_subcore>, window_params = [{transform_indices = #map}, {transform_indices = #map1}, {transform_indices = #map1}, {transform_indices = #map1}, {transform_indices = #map1}, {transform_indices = #map}]} {
    %mul3A = arith.constant 2 : i32
    %mul3A_0 = arith.muli %arg1, %mul3A : i32
    %add3A = arith.addi %mul3A_0, %arg0 : i32
    %mul3A_1 = arith.constant 128 : i32
    %mul3A_2 = arith.muli %add3A, %mul3A_1 : i32
    %mul3A_3 = arith.constant 3 : i32
    %mul3A_4 = arith.muli %mul3A_2, %mul3A_3 : i32
    "tpu.region"() ({
      %run_scoped3A = tpu.sem_alloc : memref<!tpu.dma_semaphore, #tpu.memory_space<semaphore_mem>>
      %dma_start3A_921 = tpu.memref_slice %arg2[%mul3A_4] : memref<12288xi32, #tpu.memory_space<hbm>> -> memref<384xi32, #tpu.memory_space<hbm>>
      %dma_start3A_922 = tpu.memref_slice %arg2[%mul3A_4] : memref<12288xi32, #tpu.memory_space<hbm>> -> memref<384xi32, #tpu.memory_space<hbm>>
      tpu.enqueue_dma source(%dma_start3A_922 : memref<384xi32, #tpu.memory_space<hbm>>) target(%arg8 : memref<384xi32, #tpu.memory_space<vmem>>) target_semaphore(%run_scoped3A : memref<!tpu.dma_semaphore, #tpu.memory_space<semaphore_mem>>)
      %dma_wait3A_923 = tpu.memref_slice %arg2[%mul3A_4] : memref<12288xi32, #tpu.memory_space<hbm>> -> memref<384xi32, #tpu.memory_space<hbm>>
      %dma_wait3A_924 = tpu.memref_slice %arg2[%mul3A_4] : memref<12288xi32, #tpu.memory_space<hbm>> -> memref<384xi32, #tpu.memory_space<hbm>>
      tpu.wait_dma2 semaphore(%run_scoped3A : memref<!tpu.dma_semaphore, #tpu.memory_space<semaphore_mem>>) src(%dma_wait3A_924 : memref<384xi32, #tpu.memory_space<hbm>>) dst(%arg8 : memref<384xi32, #tpu.memory_space<vmem>>)
      tpu.yield
    }) : () -> ()
    %iota3A = tpu.iota {dimensions = array<i32: 0>} : vector<16xi32>
    %add3A_5 = arith.constant 0 : i32
    %add3A_6 = vector.broadcast %add3A_5 : i32 to vector<16xi32>
    %add3A_7 = arith.addi %add3A_6, %iota3A : vector<16xi32>
    %mul3A_8 = arith.constant 3 : i32
    %mul3A_9 = vector.broadcast %mul3A_8 : i32 to vector<16xi32>
    %mul3A_10 = arith.muli %add3A_7, %mul3A_9 : vector<16xi32>
    %add3A_11 = arith.constant 0 : i32
    %add3A_12 = vector.broadcast %add3A_11 : i32 to vector<16xi32>
    %add3A_13 = arith.addi %mul3A_10, %add3A_12 : vector<16xi32>
    %gather3A = tpu.vector_load_idx %arg8[%add3A_13] : memref<384xi32, #tpu.memory_space<vmem>>[vector<16xi32>], vector<16xi32>,
    %swap3A = arith.constant 0 : index
    %swap3A_14 = tpu.vector_load %arg9[%swap3A] {strides = array<i32>} : memref<128xi32, #tpu.memory_space<vmem>>, vector<16xi32>,
    tpu.vector_store %arg9[%swap3A], %gather3A {strides = array<i32>} : memref<128xi32, #tpu.memory_space<vmem>>, vector<16xi32>,
    %add3A_15 = arith.constant 1 : i32
    %add3A_16 = vector.broadcast %add3A_15 : i32 to vector<16xi32>
    %add3A_17 = arith.addi %mul3A_10, %add3A_16 : vector<16xi32>
    %gather3A_18 = tpu.vector_load_idx %arg8[%add3A_17] : memref<384xi32, #tpu.memory_space<vmem>>[vector<16xi32>], vector<16xi32>,
    %swap3A_19 = arith.constant 0 : index
    %swap3A_20 = tpu.vector_load %arg10[%swap3A_19] {strides = array<i32>} : memref<128xi32, #tpu.memory_space<vmem>>, vector<16xi32>,
    tpu.vector_store %arg10[%swap3A_19], %gather3A_18 {strides = array<i32>} : memref<128xi32, #tpu.memory_space<vmem>>, vector<16xi32>,
    %add3A_21 = arith.constant 2 : i32
    %add3A_22 = vector.broadcast %add3A_21 : i32 to vector<16xi32>
    %add3A_23 = arith.addi %mul3A_10, %add3A_22 : vector<16xi32>
    %gather3A_24 = tpu.vector_load_idx %arg8[%add3A_23] : memref<384xi32, #tpu.memory_space<vmem>>[vector<16xi32>], vector<16xi32>,
    %swap3A_25 = arith.constant 0 : index
    %swap3A_26 = tpu.vector_load %arg11[%swap3A_25] {strides = array<i32>} : memref<128xi32, #tpu.memory_space<vmem>>, vector<16xi32>,
    tpu.vector_store %arg11[%swap3A_25], %gather3A_24 {strides = array<i32>} : memref<128xi32, #tpu.memory_space<vmem>>, vector<16xi32>,
    %iota3A_27 = tpu.iota {dimensions = array<i32: 0>} : vector<16xi32>
    %add3A_28 = arith.constant 16 : i32
    %add3A_29 = vector.broadcast %add3A_28 : i32 to vector<16xi32>
    %add3A_30 = arith.addi %add3A_29, %iota3A_27 : vector<16xi32>
    %mul3A_31 = arith.constant 3 : i32
    %mul3A_32 = vector.broadcast %mul3A_31 : i32 to vector<16xi32>
    %mul3A_33 = arith.muli %add3A_30, %mul3A_32 : vector<16xi32>
    %add3A_34 = arith.constant 0 : i32
    %add3A_35 = vector.broadcast %add3A_34 : i32 to vector<16xi32>
    %add3A_36 = arith.addi %mul3A_33, %add3A_35 : vector<16xi32>
    %gather3A_37 = tpu.vector_load_idx %arg8[%add3A_36] : memref<384xi32, #tpu.memory_space<vmem>>[vector<16xi32>], vector<16xi32>,
    %swap3A_38 = arith.constant 16 : index
    %swap3A_39 = tpu.vector_load %arg9[%swap3A_38] {strides = array<i32>} : memref<128xi32, #tpu.memory_space<vmem>>, vector<16xi32>,
    tpu.vector_store %arg9[%swap3A_38], %gather3A_37 {strides = array<i32>} : memref<128xi32, #tpu.memory_space<vmem>>, vector<16xi32>,
    %add3A_40 = arith.constant 1 : i32
    %add3A_41 = vector.broadcast %add3A_40 : i32 to vector<16xi32>
    %add3A_42 = arith.addi %mul3A_33, %add3A_41 : vector<16xi32>
    %gather3A_43 = tpu.vector_load_idx %arg8[%add3A_42] : memref<384xi32, #tpu.memory_space<vmem>>[vector<16xi32>], vector<16xi32>,
    %swap3A_44 = arith.constant 16 : index
    %swap3A_45 = tpu.vector_load %arg10[%swap3A_44] {strides = array<i32>} : memref<128xi32, #tpu.memory_space<vmem>>, vector<16xi32>,
    tpu.vector_store %arg10[%swap3A_44], %gather3A_43 {strides = array<i32>} : memref<128xi32, #tpu.memory_space<vmem>>, vector<16xi32>,
    %add3A_46 = arith.constant 2 : i32
    %add3A_47 = vector.broadcast %add3A_46 : i32 to vector<16xi32>
    %add3A_48 = arith.addi %mul3A_33, %add3A_47 : vector<16xi32>
    %gather3A_49 = tpu.vector_load_idx %arg8[%add3A_48] : memref<384xi32, #tpu.memory_space<vmem>>[vector<16xi32>], vector<16xi32>,
    %swap3A_50 = arith.constant 16 : index
    %swap3A_51 = tpu.vector_load %arg11[%swap3A_50] {strides = array<i32>} : memref<128xi32, #tpu.memory_space<vmem>>, vector<16xi32>,
    tpu.vector_store %arg11[%swap3A_50], %gather3A_49 {strides = array<i32>} : memref<128xi32, #tpu.memory_space<vmem>>, vector<16xi32>,
    %iota3A_52 = tpu.iota {dimensions = array<i32: 0>} : vector<16xi32>
    %add3A_53 = arith.constant 32 : i32
    %add3A_54 = vector.broadcast %add3A_53 : i32 to vector<16xi32>
    %add3A_55 = arith.addi %add3A_54, %iota3A_52 : vector<16xi32>
    %mul3A_56 = arith.constant 3 : i32
    %mul3A_57 = vector.broadcast %mul3A_56 : i32 to vector<16xi32>
    %mul3A_58 = arith.muli %add3A_55, %mul3A_57 : vector<16xi32>
    %add3A_59 = arith.constant 0 : i32
    %add3A_60 = vector.broadcast %add3A_59 : i32 to vector<16xi32>
    %add3A_61 = arith.addi %mul3A_58, %add3A_60 : vector<16xi32>
    %gather3A_62 = tpu.vector_load_idx %arg8[%add3A_61] : memref<384xi32, #tpu.memory_space<vmem>>[vector<16xi32>], vector<16xi32>,
    %swap3A_63 = arith.constant 32 : index
    %swap3A_64 = tpu.vector_load %arg9[%swap3A_63] {strides = array<i32>} : memref<128xi32, #tpu.memory_space<vmem>>, vector<16xi32>,
    tpu.vector_store %arg9[%swap3A_63], %gather3A_62 {strides = array<i32>} : memref<128xi32, #tpu.memory_space<vmem>>, vector<16xi32>,
    %add3A_65 = arith.constant 1 : i32
    %add3A_66 = vector.broadcast %add3A_65 : i32 to vector<16xi32>
    %add3A_67 = arith.addi %mul3A_58, %add3A_66 : vector<16xi32>
    %gather3A_68 = tpu.vector_load_idx %arg8[%add3A_67] : memref<384xi32, #tpu.memory_space<vmem>>[vector<16xi32>], vector<16xi32>,
    %swap3A_69 = arith.constant 32 : index
    %swap3A_70 = tpu.vector_load %arg10[%swap3A_69] {strides = array<i32>} : memref<128xi32, #tpu.memory_space<vmem>>, vector<16xi32>,
    tpu.vector_store %arg10[%swap3A_69], %gather3A_68 {strides = array<i32>} : memref<128xi32, #tpu.memory_space<vmem>>, vector<16xi32>,
    %add3A_71 = arith.constant 2 : i32
    %add3A_72 = vector.broadcast %add3A_71 : i32 to vector<16xi32>
    %add3A_73 = arith.addi %mul3A_58, %add3A_72 : vector<16xi32>
    %gather3A_74 = tpu.vector_load_idx %arg8[%add3A_73] : memref<384xi32, #tpu.memory_space<vmem>>[vector<16xi32>], vector<16xi32>,
    %swap3A_75 = arith.constant 32 : index
    %swap3A_76 = tpu.vector_load %arg11[%swap3A_75] {strides = array<i32>} : memref<128xi32, #tpu.memory_space<vmem>>, vector<16xi32>,
    tpu.vector_store %arg11[%swap3A_75], %gather3A_74 {strides = array<i32>} : memref<128xi32, #tpu.memory_space<vmem>>, vector<16xi32>,
    %iota3A_77 = tpu.iota {dimensions = array<i32: 0>} : vector<16xi32>
    %add3A_78 = arith.constant 48 : i32
    %add3A_79 = vector.broadcast %add3A_78 : i32 to vector<16xi32>
    %add3A_80 = arith.addi %add3A_79, %iota3A_77 : vector<16xi32>
    %mul3A_81 = arith.constant 3 : i32
    %mul3A_82 = vector.broadcast %mul3A_81 : i32 to vector<16xi32>
    %mul3A_83 = arith.muli %add3A_80, %mul3A_82 : vector<16xi32>
    %add3A_84 = arith.constant 0 : i32
    %add3A_85 = vector.broadcast %add3A_84 : i32 to vector<16xi32>
    %add3A_86 = arith.addi %mul3A_83, %add3A_85 : vector<16xi32>
    %gather3A_87 = tpu.vector_load_idx %arg8[%add3A_86] : memref<384xi32, #tpu.memory_space<vmem>>[vector<16xi32>], vector<16xi32>,
    %swap3A_88 = arith.constant 48 : index
    %swap3A_89 = tpu.vector_load %arg9[%swap3A_88] {strides = array<i32>} : memref<128xi32, #tpu.memory_space<vmem>>, vector<16xi32>,
    tpu.vector_store %arg9[%swap3A_88], %gather3A_87 {strides = array<i32>} : memref<128xi32, #tpu.memory_space<vmem>>, vector<16xi32>,
    %add3A_90 = arith.constant 1 : i32
    %add3A_91 = vector.broadcast %add3A_90 : i32 to vector<16xi32>
    %add3A_92 = arith.addi %mul3A_83, %add3A_91 : vector<16xi32>
    %gather3A_93 = tpu.vector_load_idx %arg8[%add3A_92] : memref<384xi32, #tpu.memory_space<vmem>>[vector<16xi32>], vector<16xi32>,
    %swap3A_94 = arith.constant 48 : index
    %swap3A_95 = tpu.vector_load %arg10[%swap3A_94] {strides = array<i32>} : memref<128xi32, #tpu.memory_space<vmem>>, vector<16xi32>,
    tpu.vector_store %arg10[%swap3A_94], %gather3A_93 {strides = array<i32>} : memref<128xi32, #tpu.memory_space<vmem>>, vector<16xi32>,
    %add3A_96 = arith.constant 2 : i32
    %add3A_97 = vector.broadcast %add3A_96 : i32 to vector<16xi32>
    %add3A_98 = arith.addi %mul3A_83, %add3A_97 : vector<16xi32>
    %gather3A_99 = tpu.vector_load_idx %arg8[%add3A_98] : memref<384xi32, #tpu.memory_space<vmem>>[vector<16xi32>], vector<16xi32>,
    %swap3A_100 = arith.constant 48 : index
    %swap3A_101 = tpu.vector_load %arg11[%swap3A_100] {strides = array<i32>} : memref<128xi32, #tpu.memory_space<vmem>>, vector<16xi32>,
    tpu.vector_store %arg11[%swap3A_100], %gather3A_99 {strides = array<i32>} : memref<128xi32, #tpu.memory_space<vmem>>, vector<16xi32>,
    %iota3A_102 = tpu.iota {dimensions = array<i32: 0>} : vector<16xi32>
    %add3A_103 = arith.constant 64 : i32
    %add3A_104 = vector.broadcast %add3A_103 : i32 to vector<16xi32>
    %add3A_105 = arith.addi %add3A_104, %iota3A_102 : vector<16xi32>
    %mul3A_106 = arith.constant 3 : i32
    %mul3A_107 = vector.broadcast %mul3A_106 : i32 to vector<16xi32>
    %mul3A_108 = arith.muli %add3A_105, %mul3A_107 : vector<16xi32>
    %add3A_109 = arith.constant 0 : i32
    %add3A_110 = vector.broadcast %add3A_109 : i32 to vector<16xi32>
    %add3A_111 = arith.addi %mul3A_108, %add3A_110 : vector<16xi32>
    %gather3A_112 = tpu.vector_load_idx %arg8[%add3A_111] : memref<384xi32, #tpu.memory_space<vmem>>[vector<16xi32>], vector<16xi32>,
    %swap3A_113 = arith.constant 64 : index
    %swap3A_114 = tpu.vector_load %arg9[%swap3A_113] {strides = array<i32>} : memref<128xi32, #tpu.memory_space<vmem>>, vector<16xi32>,
    tpu.vector_store %arg9[%swap3A_113], %gather3A_112 {strides = array<i32>} : memref<128xi32, #tpu.memory_space<vmem>>, vector<16xi32>,
    %add3A_115 = arith.constant 1 : i32
    %add3A_116 = vector.broadcast %add3A_115 : i32 to vector<16xi32>
    %add3A_117 = arith.addi %mul3A_108, %add3A_116 : vector<16xi32>
    %gather3A_118 = tpu.vector_load_idx %arg8[%add3A_117] : memref<384xi32, #tpu.memory_space<vmem>>[vector<16xi32>], vector<16xi32>,
    %swap3A_119 = arith.constant 64 : index
    %swap3A_120 = tpu.vector_load %arg10[%swap3A_119] {strides = array<i32>} : memref<128xi32, #tpu.memory_space<vmem>>, vector<16xi32>,
    tpu.vector_store %arg10[%swap3A_119], %gather3A_118 {strides = array<i32>} : memref<128xi32, #tpu.memory_space<vmem>>, vector<16xi32>,
    %add3A_121 = arith.constant 2 : i32
    %add3A_122 = vector.broadcast %add3A_121 : i32 to vector<16xi32>
    %add3A_123 = arith.addi %mul3A_108, %add3A_122 : vector<16xi32>
    %gather3A_124 = tpu.vector_load_idx %arg8[%add3A_123] : memref<384xi32, #tpu.memory_space<vmem>>[vector<16xi32>], vector<16xi32>,
    %swap3A_125 = arith.constant 64 : index
    %swap3A_126 = tpu.vector_load %arg11[%swap3A_125] {strides = array<i32>} : memref<128xi32, #tpu.memory_space<vmem>>, vector<16xi32>,
    tpu.vector_store %arg11[%swap3A_125], %gather3A_124 {strides = array<i32>} : memref<128xi32, #tpu.memory_space<vmem>>, vector<16xi32>,
    %iota3A_127 = tpu.iota {dimensions = array<i32: 0>} : vector<16xi32>
    %add3A_128 = arith.constant 80 : i32
    %add3A_129 = vector.broadcast %add3A_128 : i32 to vector<16xi32>
    %add3A_130 = arith.addi %add3A_129, %iota3A_127 : vector<16xi32>
    %mul3A_131 = arith.constant 3 : i32
    %mul3A_132 = vector.broadcast %mul3A_131 : i32 to vector<16xi32>
    %mul3A_133 = arith.muli %add3A_130, %mul3A_132 : vector<16xi32>
    %add3A_134 = arith.constant 0 : i32
    %add3A_135 = vector.broadcast %add3A_134 : i32 to vector<16xi32>
    %add3A_136 = arith.addi %mul3A_133, %add3A_135 : vector<16xi32>
    %gather3A_137 = tpu.vector_load_idx %arg8[%add3A_136] : memref<384xi32, #tpu.memory_space<vmem>>[vector<16xi32>], vector<16xi32>,
    %swap3A_138 = arith.constant 80 : index
    %swap3A_139 = tpu.vector_load %arg9[%swap3A_138] {strides = array<i32>} : memref<128xi32, #tpu.memory_space<vmem>>, vector<16xi32>,
    tpu.vector_store %arg9[%swap3A_138], %gather3A_137 {strides = array<i32>} : memref<128xi32, #tpu.memory_space<vmem>>, vector<16xi32>,
    %add3A_140 = arith.constant 1 : i32
    %add3A_141 = vector.broadcast %add3A_140 : i32 to vector<16xi32>
    %add3A_142 = arith.addi %mul3A_133, %add3A_141 : vector<16xi32>
    %gather3A_143 = tpu.vector_load_idx %arg8[%add3A_142] : memref<384xi32, #tpu.memory_space<vmem>>[vector<16xi32>], vector<16xi32>,
    %swap3A_144 = arith.constant 80 : index
    %swap3A_145 = tpu.vector_load %arg10[%swap3A_144] {strides = array<i32>} : memref<128xi32, #tpu.memory_space<vmem>>, vector<16xi32>,
    tpu.vector_store %arg10[%swap3A_144], %gather3A_143 {strides = array<i32>} : memref<128xi32, #tpu.memory_space<vmem>>, vector<16xi32>,
    %add3A_146 = arith.constant 2 : i32
    %add3A_147 = vector.broadcast %add3A_146 : i32 to vector<16xi32>
    %add3A_148 = arith.addi %mul3A_133, %add3A_147 : vector<16xi32>
    %gather3A_149 = tpu.vector_load_idx %arg8[%add3A_148] : memref<384xi32, #tpu.memory_space<vmem>>[vector<16xi32>], vector<16xi32>,
    %swap3A_150 = arith.constant 80 : index
    %swap3A_151 = tpu.vector_load %arg11[%swap3A_150] {strides = array<i32>} : memref<128xi32, #tpu.memory_space<vmem>>, vector<16xi32>,
    tpu.vector_store %arg11[%swap3A_150], %gather3A_149 {strides = array<i32>} : memref<128xi32, #tpu.memory_space<vmem>>, vector<16xi32>,
    %iota3A_152 = tpu.iota {dimensions = array<i32: 0>} : vector<16xi32>
    %add3A_153 = arith.constant 96 : i32
    %add3A_154 = vector.broadcast %add3A_153 : i32 to vector<16xi32>
    %add3A_155 = arith.addi %add3A_154, %iota3A_152 : vector<16xi32>
    %mul3A_156 = arith.constant 3 : i32
    %mul3A_157 = vector.broadcast %mul3A_156 : i32 to vector<16xi32>
    %mul3A_158 = arith.muli %add3A_155, %mul3A_157 : vector<16xi32>
    %add3A_159 = arith.constant 0 : i32
    %add3A_160 = vector.broadcast %add3A_159 : i32 to vector<16xi32>
    %add3A_161 = arith.addi %mul3A_158, %add3A_160 : vector<16xi32>
    %gather3A_162 = tpu.vector_load_idx %arg8[%add3A_161] : memref<384xi32, #tpu.memory_space<vmem>>[vector<16xi32>], vector<16xi32>,
    %swap3A_163 = arith.constant 96 : index
    %swap3A_164 = tpu.vector_load %arg9[%swap3A_163] {strides = array<i32>} : memref<128xi32, #tpu.memory_space<vmem>>, vector<16xi32>,
    tpu.vector_store %arg9[%swap3A_163], %gather3A_162 {strides = array<i32>} : memref<128xi32, #tpu.memory_space<vmem>>, vector<16xi32>,
    %add3A_165 = arith.constant 1 : i32
    %add3A_166 = vector.broadcast %add3A_165 : i32 to vector<16xi32>
    %add3A_167 = arith.addi %mul3A_158, %add3A_166 : vector<16xi32>
    %gather3A_168 = tpu.vector_load_idx %arg8[%add3A_167] : memref<384xi32, #tpu.memory_space<vmem>>[vector<16xi32>], vector<16xi32>,
    %swap3A_169 = arith.constant 96 : index
    %swap3A_170 = tpu.vector_load %arg10[%swap3A_169] {strides = array<i32>} : memref<128xi32, #tpu.memory_space<vmem>>, vector<16xi32>,
    tpu.vector_store %arg10[%swap3A_169], %gather3A_168 {strides = array<i32>} : memref<128xi32, #tpu.memory_space<vmem>>, vector<16xi32>,
    %add3A_171 = arith.constant 2 : i32
    %add3A_172 = vector.broadcast %add3A_171 : i32 to vector<16xi32>
    %add3A_173 = arith.addi %mul3A_158, %add3A_172 : vector<16xi32>
    %gather3A_174 = tpu.vector_load_idx %arg8[%add3A_173] : memref<384xi32, #tpu.memory_space<vmem>>[vector<16xi32>], vector<16xi32>,
    %swap3A_175 = arith.constant 96 : index
    %swap3A_176 = tpu.vector_load %arg11[%swap3A_175] {strides = array<i32>} : memref<128xi32, #tpu.memory_space<vmem>>, vector<16xi32>,
    tpu.vector_store %arg11[%swap3A_175], %gather3A_174 {strides = array<i32>} : memref<128xi32, #tpu.memory_space<vmem>>, vector<16xi32>,
    %iota3A_177 = tpu.iota {dimensions = array<i32: 0>} : vector<16xi32>
    %add3A_178 = arith.constant 112 : i32
    %add3A_179 = vector.broadcast %add3A_178 : i32 to vector<16xi32>
    %add3A_180 = arith.addi %add3A_179, %iota3A_177 : vector<16xi32>
    %mul3A_181 = arith.constant 3 : i32
    %mul3A_182 = vector.broadcast %mul3A_181 : i32 to vector<16xi32>
    %mul3A_183 = arith.muli %add3A_180, %mul3A_182 : vector<16xi32>
    %add3A_184 = arith.constant 0 : i32
    %add3A_185 = vector.broadcast %add3A_184 : i32 to vector<16xi32>
    %add3A_186 = arith.addi %mul3A_183, %add3A_185 : vector<16xi32>
    %gather3A_187 = tpu.vector_load_idx %arg8[%add3A_186] : memref<384xi32, #tpu.memory_space<vmem>>[vector<16xi32>], vector<16xi32>,
    %swap3A_188 = arith.constant 112 : index
    %swap3A_189 = tpu.vector_load %arg9[%swap3A_188] {strides = array<i32>} : memref<128xi32, #tpu.memory_space<vmem>>, vector<16xi32>,
    tpu.vector_store %arg9[%swap3A_188], %gather3A_187 {strides = array<i32>} : memref<128xi32, #tpu.memory_space<vmem>>, vector<16xi32>,
    %add3A_190 = arith.constant 1 : i32
    %add3A_191 = vector.broadcast %add3A_190 : i32 to vector<16xi32>
    %add3A_192 = arith.addi %mul3A_183, %add3A_191 : vector<16xi32>
    %gather3A_193 = tpu.vector_load_idx %arg8[%add3A_192] : memref<384xi32, #tpu.memory_space<vmem>>[vector<16xi32>], vector<16xi32>,
    %swap3A_194 = arith.constant 112 : index
    %swap3A_195 = tpu.vector_load %arg10[%swap3A_194] {strides = array<i32>} : memref<128xi32, #tpu.memory_space<vmem>>, vector<16xi32>,
    tpu.vector_store %arg10[%swap3A_194], %gather3A_193 {strides = array<i32>} : memref<128xi32, #tpu.memory_space<vmem>>, vector<16xi32>,
    %add3A_196 = arith.constant 2 : i32
    %add3A_197 = vector.broadcast %add3A_196 : i32 to vector<16xi32>
    %add3A_198 = arith.addi %mul3A_183, %add3A_197 : vector<16xi32>
    %gather3A_199 = tpu.vector_load_idx %arg8[%add3A_198] : memref<384xi32, #tpu.memory_space<vmem>>[vector<16xi32>], vector<16xi32>,
    %swap3A_200 = arith.constant 112 : index
    %swap3A_201 = tpu.vector_load %arg11[%swap3A_200] {strides = array<i32>} : memref<128xi32, #tpu.memory_space<vmem>>, vector<16xi32>,
    tpu.vector_store %arg11[%swap3A_200], %gather3A_199 {strides = array<i32>} : memref<128xi32, #tpu.memory_space<vmem>>, vector<16xi32>,
    %dma_start3A = arith.constant 0 : i32
    %dma_start3A_202 = arith.constant 0 : i32
    %dma_start3A_203 = tpu.memref_slice %arg3[%dma_start3A, %dma_start3A_202] : memref<1000000x32xf32, #tpu.memory_space<hbm>> -> memref<1000000x32xf32, #tpu.memory_space<hbm>>
    tpu.enqueue_indirect_dma source(%dma_start3A_203 : memref<1000000x32xf32, #tpu.memory_space<hbm>>) target(%arg12 : memref<128x32xf32, #tpu.memory_space<vmem>>) offsets(%arg9 : memref<128xi32, #tpu.memory_space<vmem>>) semaphore(%arg20 : memref<!tpu.dma_semaphore, #tpu.memory_space<semaphore_mem>>)
    %dma_start3A_204 = arith.constant 0 : i32
    %dma_start3A_205 = arith.constant 0 : i32
    %dma_start3A_206 = tpu.memref_slice %arg4[%dma_start3A_204, %dma_start3A_205] : memref<1000000x32xf32, #tpu.memory_space<hbm>> -> memref<1000000x32xf32, #tpu.memory_space<hbm>>
    tpu.enqueue_indirect_dma source(%dma_start3A_206 : memref<1000000x32xf32, #tpu.memory_space<hbm>>) target(%arg13 : memref<128x32xf32, #tpu.memory_space<vmem>>) offsets(%arg9 : memref<128xi32, #tpu.memory_space<vmem>>) semaphore(%arg21 : memref<!tpu.dma_semaphore, #tpu.memory_space<semaphore_mem>>)
    %dma_start3A_207 = arith.constant 0 : i32
    %dma_start3A_208 = arith.constant 0 : i32
    %dma_start3A_209 = tpu.memref_slice %arg5[%dma_start3A_207, %dma_start3A_208] : memref<1000000x32xf32, #tpu.memory_space<hbm>> -> memref<1000000x32xf32, #tpu.memory_space<hbm>>
    tpu.enqueue_indirect_dma source(%dma_start3A_209 : memref<1000000x32xf32, #tpu.memory_space<hbm>>) target(%arg14 : memref<128x32xf32, #tpu.memory_space<vmem>>) offsets(%arg10 : memref<128xi32, #tpu.memory_space<vmem>>) semaphore(%arg22 : memref<!tpu.dma_semaphore, #tpu.memory_space<semaphore_mem>>)
    %dma_start3A_210 = arith.constant 0 : i32
    %dma_start3A_211 = arith.constant 0 : i32
    %dma_start3A_212 = tpu.memref_slice %arg6[%dma_start3A_210, %dma_start3A_211] : memref<1000000x32xf32, #tpu.memory_space<hbm>> -> memref<1000000x32xf32, #tpu.memory_space<hbm>>
    tpu.enqueue_indirect_dma source(%dma_start3A_212 : memref<1000000x32xf32, #tpu.memory_space<hbm>>) target(%arg15 : memref<128x32xf32, #tpu.memory_space<vmem>>) offsets(%arg10 : memref<128xi32, #tpu.memory_space<vmem>>) semaphore(%arg23 : memref<!tpu.dma_semaphore, #tpu.memory_space<semaphore_mem>>)
    %dma_start3A_213 = arith.constant 0 : i32
    %dma_start3A_214 = arith.constant 0 : i32
    %dma_start3A_215 = tpu.memref_slice %arg3[%dma_start3A_213, %dma_start3A_214] : memref<1000000x32xf32, #tpu.memory_space<hbm>> -> memref<1000000x32xf32, #tpu.memory_space<hbm>>
    tpu.enqueue_indirect_dma source(%dma_start3A_215 : memref<1000000x32xf32, #tpu.memory_space<hbm>>) target(%arg16 : memref<128x32xf32, #tpu.memory_space<vmem>>) offsets(%arg11 : memref<128xi32, #tpu.memory_space<vmem>>) semaphore(%arg24 : memref<!tpu.dma_semaphore, #tpu.memory_space<semaphore_mem>>)
    %dma_start3A_216 = arith.constant 0 : i32
    %dma_start3A_217 = arith.constant 0 : i32
    %dma_start3A_218 = tpu.memref_slice %arg4[%dma_start3A_216, %dma_start3A_217] : memref<1000000x32xf32, #tpu.memory_space<hbm>> -> memref<1000000x32xf32, #tpu.memory_space<hbm>>
    tpu.enqueue_indirect_dma source(%dma_start3A_218 : memref<1000000x32xf32, #tpu.memory_space<hbm>>) target(%arg17 : memref<128x32xf32, #tpu.memory_space<vmem>>) offsets(%arg11 : memref<128xi32, #tpu.memory_space<vmem>>) semaphore(%arg25 : memref<!tpu.dma_semaphore, #tpu.memory_space<semaphore_mem>>)
    %dma_wait3A = arith.constant 0 : i32
    %dma_wait3A_219 = arith.constant 0 : i32
    %dma_wait3A_220 = tpu.memref_slice %arg3[%dma_wait3A, %dma_wait3A_219] : memref<1000000x32xf32, #tpu.memory_space<hbm>> -> memref<1000000x32xf32, #tpu.memory_space<hbm>>
    tpu.wait_indirect_dma semaphore(%arg20 : memref<!tpu.dma_semaphore, #tpu.memory_space<semaphore_mem>>) src(%dma_wait3A_220 : memref<1000000x32xf32, #tpu.memory_space<hbm>>) dst(%arg12 : memref<128x32xf32, #tpu.memory_space<vmem>>)
    %dma_wait3A_221 = arith.constant 0 : i32
    %dma_wait3A_222 = arith.constant 0 : i32
    %dma_wait3A_223 = tpu.memref_slice %arg4[%dma_wait3A_221, %dma_wait3A_222] : memref<1000000x32xf32, #tpu.memory_space<hbm>> -> memref<1000000x32xf32, #tpu.memory_space<hbm>>
    tpu.wait_indirect_dma semaphore(%arg21 : memref<!tpu.dma_semaphore, #tpu.memory_space<semaphore_mem>>) src(%dma_wait3A_223 : memref<1000000x32xf32, #tpu.memory_space<hbm>>) dst(%arg13 : memref<128x32xf32, #tpu.memory_space<vmem>>)
    %dma_wait3A_224 = arith.constant 0 : i32
    %dma_wait3A_225 = arith.constant 0 : i32
    %dma_wait3A_226 = tpu.memref_slice %arg5[%dma_wait3A_224, %dma_wait3A_225] : memref<1000000x32xf32, #tpu.memory_space<hbm>> -> memref<1000000x32xf32, #tpu.memory_space<hbm>>
    tpu.wait_indirect_dma semaphore(%arg22 : memref<!tpu.dma_semaphore, #tpu.memory_space<semaphore_mem>>) src(%dma_wait3A_226 : memref<1000000x32xf32, #tpu.memory_space<hbm>>) dst(%arg14 : memref<128x32xf32, #tpu.memory_space<vmem>>)
    %dma_wait3A_227 = arith.constant 0 : i32
    %dma_wait3A_228 = arith.constant 0 : i32
    %dma_wait3A_229 = tpu.memref_slice %arg6[%dma_wait3A_227, %dma_wait3A_228] : memref<1000000x32xf32, #tpu.memory_space<hbm>> -> memref<1000000x32xf32, #tpu.memory_space<hbm>>
    tpu.wait_indirect_dma semaphore(%arg23 : memref<!tpu.dma_semaphore, #tpu.memory_space<semaphore_mem>>) src(%dma_wait3A_229 : memref<1000000x32xf32, #tpu.memory_space<hbm>>) dst(%arg15 : memref<128x32xf32, #tpu.memory_space<vmem>>)
    %dma_wait3A_230 = arith.constant 0 : i32
    %dma_wait3A_231 = arith.constant 0 : i32
    %dma_wait3A_232 = tpu.memref_slice %arg3[%dma_wait3A_230, %dma_wait3A_231] : memref<1000000x32xf32, #tpu.memory_space<hbm>> -> memref<1000000x32xf32, #tpu.memory_space<hbm>>
    tpu.wait_indirect_dma semaphore(%arg24 : memref<!tpu.dma_semaphore, #tpu.memory_space<semaphore_mem>>) src(%dma_wait3A_232 : memref<1000000x32xf32, #tpu.memory_space<hbm>>) dst(%arg16 : memref<128x32xf32, #tpu.memory_space<vmem>>)
    %dma_wait3A_233 = arith.constant 0 : i32
    %dma_wait3A_234 = arith.constant 0 : i32
    %dma_wait3A_235 = tpu.memref_slice %arg4[%dma_wait3A_233, %dma_wait3A_234] : memref<1000000x32xf32, #tpu.memory_space<hbm>> -> memref<1000000x32xf32, #tpu.memory_space<hbm>>
    tpu.wait_indirect_dma semaphore(%arg25 : memref<!tpu.dma_semaphore, #tpu.memory_space<semaphore_mem>>) src(%dma_wait3A_235 : memref<1000000x32xf32, #tpu.memory_space<hbm>>) dst(%arg17 : memref<128x32xf32, #tpu.memory_space<vmem>>)
    %scan3A = arith.constant 0 : i32
    %scan3A_236 = arith.constant 0 : i32
    %scan3A_237 = arith.constant 128 : i32
    %scan3A_238 = arith.addi %scan3A_236, %scan3A_237 : i32
    %scan3A_239 = arith.constant 1 : i32
    scf.for %scan3A_921 = %scan3A_236 to %scan3A_238 step %scan3A_239  : i32 {
      %get3A = arith.index_cast %scan3A_921 : i32 to index
      %get3A_922 = arith.constant 0 : index
      %get3A_923 = tpu.vector_load %arg12[%get3A, %get3A_922] {strides = array<i32>} : memref<128x32xf32, #tpu.memory_space<vmem>>, vector<16xf32>,
      %get3A_924 = arith.index_cast %scan3A_921 : i32 to index
      %get3A_925 = arith.constant 16 : index
      %get3A_926 = tpu.vector_load %arg12[%get3A_924, %get3A_925] {strides = array<i32>} : memref<128x32xf32, #tpu.memory_space<vmem>>, vector<16xf32>,
      %get3A_927 = arith.index_cast %scan3A_921 : i32 to index
      %get3A_928 = arith.constant 0 : index
      %get3A_929 = tpu.vector_load %arg13[%get3A_927, %get3A_928] {strides = array<i32>} : memref<128x32xf32, #tpu.memory_space<vmem>>, vector<16xf32>,
      %get3A_930 = arith.index_cast %scan3A_921 : i32 to index
      %get3A_931 = arith.constant 16 : index
      %get3A_932 = tpu.vector_load %arg13[%get3A_930, %get3A_931] {strides = array<i32>} : memref<128x32xf32, #tpu.memory_space<vmem>>, vector<16xf32>,
      %get3A_933 = arith.index_cast %scan3A_921 : i32 to index
      %get3A_934 = arith.constant 0 : index
      %get3A_935 = tpu.vector_load %arg14[%get3A_933, %get3A_934] {strides = array<i32>} : memref<128x32xf32, #tpu.memory_space<vmem>>, vector<16xf32>,
      %get3A_936 = arith.index_cast %scan3A_921 : i32 to index
      %get3A_937 = arith.constant 16 : index
      %get3A_938 = tpu.vector_load %arg14[%get3A_936, %get3A_937] {strides = array<i32>} : memref<128x32xf32, #tpu.memory_space<vmem>>, vector<16xf32>,
      %get3A_939 = arith.index_cast %scan3A_921 : i32 to index
      %get3A_940 = arith.constant 0 : index
      %get3A_941 = tpu.vector_load %arg15[%get3A_939, %get3A_940] {strides = array<i32>} : memref<128x32xf32, #tpu.memory_space<vmem>>, vector<16xf32>,
      %get3A_942 = arith.index_cast %scan3A_921 : i32 to index
      %get3A_943 = arith.constant 16 : index
      %get3A_944 = tpu.vector_load %arg15[%get3A_942, %get3A_943] {strides = array<i32>} : memref<128x32xf32, #tpu.memory_space<vmem>>, vector<16xf32>,
      %get3A_945 = arith.index_cast %scan3A_921 : i32 to index
      %get3A_946 = arith.constant 0 : index
      %get3A_947 = tpu.vector_load %arg16[%get3A_945, %get3A_946] {strides = array<i32>} : memref<128x32xf32, #tpu.memory_space<vmem>>, vector<16xf32>,
      %get3A_948 = arith.index_cast %scan3A_921 : i32 to index
      %get3A_949 = arith.constant 16 : index
      %get3A_950 = tpu.vector_load %arg16[%get3A_948, %get3A_949] {strides = array<i32>} : memref<128x32xf32, #tpu.memory_space<vmem>>, vector<16xf32>,
      %get3A_951 = arith.index_cast %scan3A_921 : i32 to index
      %get3A_952 = arith.constant 0 : index
      %get3A_953 = tpu.vector_load %arg17[%get3A_951, %get3A_952] {strides = array<i32>} : memref<128x32xf32, #tpu.memory_space<vmem>>, vector<16xf32>,
      %get3A_954 = arith.index_cast %scan3A_921 : i32 to index
      %get3A_955 = arith.constant 16 : index
      %get3A_956 = tpu.vector_load %arg17[%get3A_954, %get3A_955] {strides = array<i32>} : memref<128x32xf32, #tpu.memory_space<vmem>>, vector<16xf32>,
      %mul3A_957 = arith.mulf %get3A_923, %get3A_935 : vector<16xf32>
      %mul3A_958 = arith.mulf %get3A_929, %get3A_941 : vector<16xf32>
      %sub3A = arith.subf %mul3A_957, %mul3A_958 : vector<16xf32>
      %mul3A_959 = arith.mulf %sub3A, %get3A_947 : vector<16xf32>
      %mul3A_960 = arith.mulf %get3A_923, %get3A_941 : vector<16xf32>
      %mul3A_961 = arith.mulf %get3A_929, %get3A_935 : vector<16xf32>
      %add3A_962 = arith.addf %mul3A_960, %mul3A_961 : vector<16xf32>
      %mul3A_963 = arith.mulf %add3A_962, %get3A_953 : vector<16xf32>
      %add3A_964 = arith.addf %mul3A_959, %mul3A_963 : vector<16xf32>
      %mul3A_965 = arith.mulf %get3A_926, %get3A_938 : vector<16xf32>
      %mul3A_966 = arith.mulf %get3A_932, %get3A_944 : vector<16xf32>
      %sub3A_967 = arith.subf %mul3A_965, %mul3A_966 : vector<16xf32>
      %mul3A_968 = arith.mulf %sub3A_967, %get3A_950 : vector<16xf32>
      %mul3A_969 = arith.mulf %get3A_926, %get3A_944 : vector<16xf32>
      %mul3A_970 = arith.mulf %get3A_932, %get3A_938 : vector<16xf32>
      %add3A_971 = arith.addf %mul3A_969, %mul3A_970 : vector<16xf32>
      %mul3A_972 = arith.mulf %add3A_971, %get3A_956 : vector<16xf32>
      %add3A_973 = arith.addf %mul3A_968, %mul3A_972 : vector<16xf32>
      %add3A_974 = arith.addf %add3A_964, %add3A_973 : vector<16xf32>
      %mul3A_975 = arith.constant 16 : i32
      %mul3A_976 = arith.muli %scan3A_921, %mul3A_975 : i32
      %swap3A_977 = arith.index_cast %mul3A_976 : i32 to index
      %swap3A_978 = tpu.vector_load %arg18[%swap3A_977] {strides = array<i32>} : memref<2048xf32, #tpu.memory_space<vmem>>, vector<16xf32>,
      tpu.vector_store %arg18[%swap3A_977], %add3A_974 {strides = array<i32>} : memref<2048xf32, #tpu.memory_space<vmem>>, vector<16xf32>,
    }
    %scan3A_240 = arith.constant 128 : i32
    %iota3A_241 = tpu.iota {dimensions = array<i32: 0>} : vector<16xi32>
    %add3A_242 = arith.constant 0 : i32
    %add3A_243 = vector.broadcast %add3A_242 : i32 to vector<16xi32>
    %add3A_244 = arith.addi %add3A_243, %iota3A_241 : vector<16xi32>
    %mul3A_245 = arith.constant 16 : i32
    %mul3A_246 = vector.broadcast %mul3A_245 : i32 to vector<16xi32>
    %mul3A_247 = arith.muli %add3A_244, %mul3A_246 : vector<16xi32>
    %gather3A_248 = tpu.vector_load_idx %arg18[%mul3A_247] : memref<2048xf32, #tpu.memory_space<vmem>>[vector<16xi32>], vector<16xf32>,
    %add3A_249 = arith.constant 1 : i32
    %add3A_250 = vector.broadcast %add3A_249 : i32 to vector<16xi32>
    %add3A_251 = arith.addi %mul3A_247, %add3A_250 : vector<16xi32>
    %gather3A_252 = tpu.vector_load_idx %arg18[%add3A_251] : memref<2048xf32, #tpu.memory_space<vmem>>[vector<16xi32>], vector<16xf32>,
    %add3A_253 = arith.addf %gather3A_248, %gather3A_252 : vector<16xf32>
    %add3A_254 = arith.constant 2 : i32
    %add3A_255 = vector.broadcast %add3A_254 : i32 to vector<16xi32>
    %add3A_256 = arith.addi %mul3A_247, %add3A_255 : vector<16xi32>
    %gather3A_257 = tpu.vector_load_idx %arg18[%add3A_256] : memref<2048xf32, #tpu.memory_space<vmem>>[vector<16xi32>], vector<16xf32>,
    %add3A_258 = arith.addf %add3A_253, %gather3A_257 : vector<16xf32>
    %add3A_259 = arith.constant 3 : i32
    %add3A_260 = vector.broadcast %add3A_259 : i32 to vector<16xi32>
    %add3A_261 = arith.addi %mul3A_247, %add3A_260 : vector<16xi32>
    %gather3A_262 = tpu.vector_load_idx %arg18[%add3A_261] : memref<2048xf32, #tpu.memory_space<vmem>>[vector<16xi32>], vector<16xf32>,
    %add3A_263 = arith.addf %add3A_258, %gather3A_262 : vector<16xf32>
    %add3A_264 = arith.constant 4 : i32
    %add3A_265 = vector.broadcast %add3A_264 : i32 to vector<16xi32>
    %add3A_266 = arith.addi %mul3A_247, %add3A_265 : vector<16xi32>
    %gather3A_267 = tpu.vector_load_idx %arg18[%add3A_266] : memref<2048xf32, #tpu.memory_space<vmem>>[vector<16xi32>], vector<16xf32>,
    %add3A_268 = arith.addf %add3A_263, %gather3A_267 : vector<16xf32>
    %add3A_269 = arith.constant 5 : i32
    %add3A_270 = vector.broadcast %add3A_269 : i32 to vector<16xi32>
    %add3A_271 = arith.addi %mul3A_247, %add3A_270 : vector<16xi32>
    %gather3A_272 = tpu.vector_load_idx %arg18[%add3A_271] : memref<2048xf32, #tpu.memory_space<vmem>>[vector<16xi32>], vector<16xf32>,
    %add3A_273 = arith.addf %add3A_268, %gather3A_272 : vector<16xf32>
    %add3A_274 = arith.constant 6 : i32
    %add3A_275 = vector.broadcast %add3A_274 : i32 to vector<16xi32>
    %add3A_276 = arith.addi %mul3A_247, %add3A_275 : vector<16xi32>
    %gather3A_277 = tpu.vector_load_idx %arg18[%add3A_276] : memref<2048xf32, #tpu.memory_space<vmem>>[vector<16xi32>], vector<16xf32>,
    %add3A_278 = arith.addf %add3A_273, %gather3A_277 : vector<16xf32>
    %add3A_279 = arith.constant 7 : i32
    %add3A_280 = vector.broadcast %add3A_279 : i32 to vector<16xi32>
    %add3A_281 = arith.addi %mul3A_247, %add3A_280 : vector<16xi32>
    %gather3A_282 = tpu.vector_load_idx %arg18[%add3A_281] : memref<2048xf32, #tpu.memory_space<vmem>>[vector<16xi32>], vector<16xf32>,
    %add3A_283 = arith.addf %add3A_278, %gather3A_282 : vector<16xf32>
    %add3A_284 = arith.constant 8 : i32
    %add3A_285 = vector.broadcast %add3A_284 : i32 to vector<16xi32>
    %add3A_286 = arith.addi %mul3A_247, %add3A_285 : vector<16xi32>
    %gather3A_287 = tpu.vector_load_idx %arg18[%add3A_286] : memref<2048xf32, #tpu.memory_space<vmem>>[vector<16xi32>], vector<16xf32>,
    %add3A_288 = arith.addf %add3A_283, %gather3A_287 : vector<16xf32>
    %add3A_289 = arith.constant 9 : i32
    %add3A_290 = vector.broadcast %add3A_289 : i32 to vector<16xi32>
    %add3A_291 = arith.addi %mul3A_247, %add3A_290 : vector<16xi32>
    %gather3A_292 = tpu.vector_load_idx %arg18[%add3A_291] : memref<2048xf32, #tpu.memory_space<vmem>>[vector<16xi32>], vector<16xf32>,
    %add3A_293 = arith.addf %add3A_288, %gather3A_292 : vector<16xf32>
    %add3A_294 = arith.constant 10 : i32
    %add3A_295 = vector.broadcast %add3A_294 : i32 to vector<16xi32>
    %add3A_296 = arith.addi %mul3A_247, %add3A_295 : vector<16xi32>
    %gather3A_297 = tpu.vector_load_idx %arg18[%add3A_296] : memref<2048xf32, #tpu.memory_space<vmem>>[vector<16xi32>], vector<16xf32>,
    %add3A_298 = arith.addf %add3A_293, %gather3A_297 : vector<16xf32>
    %add3A_299 = arith.constant 11 : i32
    %add3A_300 = vector.broadcast %add3A_299 : i32 to vector<16xi32>
    %add3A_301 = arith.addi %mul3A_247, %add3A_300 : vector<16xi32>
    %gather3A_302 = tpu.vector_load_idx %arg18[%add3A_301] : memref<2048xf32, #tpu.memory_space<vmem>>[vector<16xi32>], vector<16xf32>,
    %add3A_303 = arith.addf %add3A_298, %gather3A_302 : vector<16xf32>
    %add3A_304 = arith.constant 12 : i32
    %add3A_305 = vector.broadcast %add3A_304 : i32 to vector<16xi32>
    %add3A_306 = arith.addi %mul3A_247, %add3A_305 : vector<16xi32>
    %gather3A_307 = tpu.vector_load_idx %arg18[%add3A_306] : memref<2048xf32, #tpu.memory_space<vmem>>[vector<16xi32>], vector<16xf32>,
    %add3A_308 = arith.addf %add3A_303, %gather3A_307 : vector<16xf32>
    %add3A_309 = arith.constant 13 : i32
    %add3A_310 = vector.broadcast %add3A_309 : i32 to vector<16xi32>
    %add3A_311 = arith.addi %mul3A_247, %add3A_310 : vector<16xi32>
    %gather3A_312 = tpu.vector_load_idx %arg18[%add3A_311] : memref<2048xf32, #tpu.memory_space<vmem>>[vector<16xi32>], vector<16xf32>,
    %add3A_313 = arith.addf %add3A_308, %gather3A_312 : vector<16xf32>
    %add3A_314 = arith.constant 14 : i32
    %add3A_315 = vector.broadcast %add3A_314 : i32 to vector<16xi32>
    %add3A_316 = arith.addi %mul3A_247, %add3A_315 : vector<16xi32>
    %gather3A_317 = tpu.vector_load_idx %arg18[%add3A_316] : memref<2048xf32, #tpu.memory_space<vmem>>[vector<16xi32>], vector<16xf32>,
    %add3A_318 = arith.addf %add3A_313, %gather3A_317 : vector<16xf32>
    %add3A_319 = arith.constant 15 : i32
    %add3A_320 = vector.broadcast %add3A_319 : i32 to vector<16xi32>
    %add3A_321 = arith.addi %mul3A_247, %add3A_320 : vector<16xi32>
    %gather3A_322 = tpu.vector_load_idx %arg18[%add3A_321] : memref<2048xf32, #tpu.memory_space<vmem>>[vector<16xi32>], vector<16xf32>,
    %add3A_323 = arith.addf %add3A_318, %gather3A_322 : vector<16xf32>
    %swap3A_324 = arith.constant 0 : index
    %swap3A_325 = tpu.vector_load %arg19[%swap3A_324] {strides = array<i32>} : memref<128xf32, #tpu.memory_space<vmem>>, vector<16xf32>,
    tpu.vector_store %arg19[%swap3A_324], %add3A_323 {strides = array<i32>} : memref<128xf32, #tpu.memory_space<vmem>>, vector<16xf32>,
    %iota3A_326 = tpu.iota {dimensions = array<i32: 0>} : vector<16xi32>
    %add3A_327 = arith.constant 16 : i32
    %add3A_328 = vector.broadcast %add3A_327 : i32 to vector<16xi32>
    %add3A_329 = arith.addi %add3A_328, %iota3A_326 : vector<16xi32>
    %mul3A_330 = arith.constant 16 : i32
    %mul3A_331 = vector.broadcast %mul3A_330 : i32 to vector<16xi32>
    %mul3A_332 = arith.muli %add3A_329, %mul3A_331 : vector<16xi32>
    %gather3A_333 = tpu.vector_load_idx %arg18[%mul3A_332] : memref<2048xf32, #tpu.memory_space<vmem>>[vector<16xi32>], vector<16xf32>,
    %add3A_334 = arith.constant 1 : i32
    %add3A_335 = vector.broadcast %add3A_334 : i32 to vector<16xi32>
    %add3A_336 = arith.addi %mul3A_332, %add3A_335 : vector<16xi32>
    %gather3A_337 = tpu.vector_load_idx %arg18[%add3A_336] : memref<2048xf32, #tpu.memory_space<vmem>>[vector<16xi32>], vector<16xf32>,
    %add3A_338 = arith.addf %gather3A_333, %gather3A_337 : vector<16xf32>
    %add3A_339 = arith.constant 2 : i32
    %add3A_340 = vector.broadcast %add3A_339 : i32 to vector<16xi32>
    %add3A_341 = arith.addi %mul3A_332, %add3A_340 : vector<16xi32>
    %gather3A_342 = tpu.vector_load_idx %arg18[%add3A_341] : memref<2048xf32, #tpu.memory_space<vmem>>[vector<16xi32>], vector<16xf32>,
    %add3A_343 = arith.addf %add3A_338, %gather3A_342 : vector<16xf32>
    %add3A_344 = arith.constant 3 : i32
    %add3A_345 = vector.broadcast %add3A_344 : i32 to vector<16xi32>
    %add3A_346 = arith.addi %mul3A_332, %add3A_345 : vector<16xi32>
    %gather3A_347 = tpu.vector_load_idx %arg18[%add3A_346] : memref<2048xf32, #tpu.memory_space<vmem>>[vector<16xi32>], vector<16xf32>,
    %add3A_348 = arith.addf %add3A_343, %gather3A_347 : vector<16xf32>
    %add3A_349 = arith.constant 4 : i32
    %add3A_350 = vector.broadcast %add3A_349 : i32 to vector<16xi32>
    %add3A_351 = arith.addi %mul3A_332, %add3A_350 : vector<16xi32>
    %gather3A_352 = tpu.vector_load_idx %arg18[%add3A_351] : memref<2048xf32, #tpu.memory_space<vmem>>[vector<16xi32>], vector<16xf32>,
    %add3A_353 = arith.addf %add3A_348, %gather3A_352 : vector<16xf32>
    %add3A_354 = arith.constant 5 : i32
    %add3A_355 = vector.broadcast %add3A_354 : i32 to vector<16xi32>
    %add3A_356 = arith.addi %mul3A_332, %add3A_355 : vector<16xi32>
    %gather3A_357 = tpu.vector_load_idx %arg18[%add3A_356] : memref<2048xf32, #tpu.memory_space<vmem>>[vector<16xi32>], vector<16xf32>,
    %add3A_358 = arith.addf %add3A_353, %gather3A_357 : vector<16xf32>
    %add3A_359 = arith.constant 6 : i32
    %add3A_360 = vector.broadcast %add3A_359 : i32 to vector<16xi32>
    %add3A_361 = arith.addi %mul3A_332, %add3A_360 : vector<16xi32>
    %gather3A_362 = tpu.vector_load_idx %arg18[%add3A_361] : memref<2048xf32, #tpu.memory_space<vmem>>[vector<16xi32>], vector<16xf32>,
    %add3A_363 = arith.addf %add3A_358, %gather3A_362 : vector<16xf32>
    %add3A_364 = arith.constant 7 : i32
    %add3A_365 = vector.broadcast %add3A_364 : i32 to vector<16xi32>
    %add3A_366 = arith.addi %mul3A_332, %add3A_365 : vector<16xi32>
    %gather3A_367 = tpu.vector_load_idx %arg18[%add3A_366] : memref<2048xf32, #tpu.memory_space<vmem>>[vector<16xi32>], vector<16xf32>,
    %add3A_368 = arith.addf %add3A_363, %gather3A_367 : vector<16xf32>
    %add3A_369 = arith.constant 8 : i32
    %add3A_370 = vector.broadcast %add3A_369 : i32 to vector<16xi32>
    %add3A_371 = arith.addi %mul3A_332, %add3A_370 : vector<16xi32>
    %gather3A_372 = tpu.vector_load_idx %arg18[%add3A_371] : memref<2048xf32, #tpu.memory_space<vmem>>[vector<16xi32>], vector<16xf32>,
    %add3A_373 = arith.addf %add3A_368, %gather3A_372 : vector<16xf32>
    %add3A_374 = arith.constant 9 : i32
    %add3A_375 = vector.broadcast %add3A_374 : i32 to vector<16xi32>
    %add3A_376 = arith.addi %mul3A_332, %add3A_375 : vector<16xi32>
    %gather3A_377 = tpu.vector_load_idx %arg18[%add3A_376] : memref<2048xf32, #tpu.memory_space<vmem>>[vector<16xi32>], vector<16xf32>,
    %add3A_378 = arith.addf %add3A_373, %gather3A_377 : vector<16xf32>
    %add3A_379 = arith.constant 10 : i32
    %add3A_380 = vector.broadcast %add3A_379 : i32 to vector<16xi32>
    %add3A_381 = arith.addi %mul3A_332, %add3A_380 : vector<16xi32>
    %gather3A_382 = tpu.vector_load_idx %arg18[%add3A_381] : memref<2048xf32, #tpu.memory_space<vmem>>[vector<16xi32>], vector<16xf32>,
    %add3A_383 = arith.addf %add3A_378, %gather3A_382 : vector<16xf32>
    %add3A_384 = arith.constant 11 : i32
    %add3A_385 = vector.broadcast %add3A_384 : i32 to vector<16xi32>
    %add3A_386 = arith.addi %mul3A_332, %add3A_385 : vector<16xi32>
    %gather3A_387 = tpu.vector_load_idx %arg18[%add3A_386] : memref<2048xf32, #tpu.memory_space<vmem>>[vector<16xi32>], vector<16xf32>,
    %add3A_388 = arith.addf %add3A_383, %gather3A_387 : vector<16xf32>
    %add3A_389 = arith.constant 12 : i32
    %add3A_390 = vector.broadcast %add3A_389 : i32 to vector<16xi32>
    %add3A_391 = arith.addi %mul3A_332, %add3A_390 : vector<16xi32>
    %gather3A_392 = tpu.vector_load_idx %arg18[%add3A_391] : memref<2048xf32, #tpu.memory_space<vmem>>[vector<16xi32>], vector<16xf32>,
    %add3A_393 = arith.addf %add3A_388, %gather3A_392 : vector<16xf32>
    %add3A_394 = arith.constant 13 : i32
    %add3A_395 = vector.broadcast %add3A_394 : i32 to vector<16xi32>
    %add3A_396 = arith.addi %mul3A_332, %add3A_395 : vector<16xi32>
    %gather3A_397 = tpu.vector_load_idx %arg18[%add3A_396] : memref<2048xf32, #tpu.memory_space<vmem>>[vector<16xi32>], vector<16xf32>,
    %add3A_398 = arith.addf %add3A_393, %gather3A_397 : vector<16xf32>
    %add3A_399 = arith.constant 14 : i32
    %add3A_400 = vector.broadcast %add3A_399 : i32 to vector<16xi32>
    %add3A_401 = arith.addi %mul3A_332, %add3A_400 : vector<16xi32>
    %gather3A_402 = tpu.vector_load_idx %arg18[%add3A_401] : memref<2048xf32, #tpu.memory_space<vmem>>[vector<16xi32>], vector<16xf32>,
    %add3A_403 = arith.addf %add3A_398, %gather3A_402 : vector<16xf32>
    %add3A_404 = arith.constant 15 : i32
    %add3A_405 = vector.broadcast %add3A_404 : i32 to vector<16xi32>
    %add3A_406 = arith.addi %mul3A_332, %add3A_405 : vector<16xi32>
    %gather3A_407 = tpu.vector_load_idx %arg18[%add3A_406] : memref<2048xf32, #tpu.memory_space<vmem>>[vector<16xi32>], vector<16xf32>,
    %add3A_408 = arith.addf %add3A_403, %gather3A_407 : vector<16xf32>
    %swap3A_409 = arith.constant 16 : index
    %swap3A_410 = tpu.vector_load %arg19[%swap3A_409] {strides = array<i32>} : memref<128xf32, #tpu.memory_space<vmem>>, vector<16xf32>,
    tpu.vector_store %arg19[%swap3A_409], %add3A_408 {strides = array<i32>} : memref<128xf32, #tpu.memory_space<vmem>>, vector<16xf32>,
    %iota3A_411 = tpu.iota {dimensions = array<i32: 0>} : vector<16xi32>
    %add3A_412 = arith.constant 32 : i32
    %add3A_413 = vector.broadcast %add3A_412 : i32 to vector<16xi32>
    %add3A_414 = arith.addi %add3A_413, %iota3A_411 : vector<16xi32>
    %mul3A_415 = arith.constant 16 : i32
    %mul3A_416 = vector.broadcast %mul3A_415 : i32 to vector<16xi32>
    %mul3A_417 = arith.muli %add3A_414, %mul3A_416 : vector<16xi32>
    %gather3A_418 = tpu.vector_load_idx %arg18[%mul3A_417] : memref<2048xf32, #tpu.memory_space<vmem>>[vector<16xi32>], vector<16xf32>,
    %add3A_419 = arith.constant 1 : i32
    %add3A_420 = vector.broadcast %add3A_419 : i32 to vector<16xi32>
    %add3A_421 = arith.addi %mul3A_417, %add3A_420 : vector<16xi32>
    %gather3A_422 = tpu.vector_load_idx %arg18[%add3A_421] : memref<2048xf32, #tpu.memory_space<vmem>>[vector<16xi32>], vector<16xf32>,
    %add3A_423 = arith.addf %gather3A_418, %gather3A_422 : vector<16xf32>
    %add3A_424 = arith.constant 2 : i32
    %add3A_425 = vector.broadcast %add3A_424 : i32 to vector<16xi32>
    %add3A_426 = arith.addi %mul3A_417, %add3A_425 : vector<16xi32>
    %gather3A_427 = tpu.vector_load_idx %arg18[%add3A_426] : memref<2048xf32, #tpu.memory_space<vmem>>[vector<16xi32>], vector<16xf32>,
    %add3A_428 = arith.addf %add3A_423, %gather3A_427 : vector<16xf32>
    %add3A_429 = arith.constant 3 : i32
    %add3A_430 = vector.broadcast %add3A_429 : i32 to vector<16xi32>
    %add3A_431 = arith.addi %mul3A_417, %add3A_430 : vector<16xi32>
    %gather3A_432 = tpu.vector_load_idx %arg18[%add3A_431] : memref<2048xf32, #tpu.memory_space<vmem>>[vector<16xi32>], vector<16xf32>,
    %add3A_433 = arith.addf %add3A_428, %gather3A_432 : vector<16xf32>
    %add3A_434 = arith.constant 4 : i32
    %add3A_435 = vector.broadcast %add3A_434 : i32 to vector<16xi32>
    %add3A_436 = arith.addi %mul3A_417, %add3A_435 : vector<16xi32>
    %gather3A_437 = tpu.vector_load_idx %arg18[%add3A_436] : memref<2048xf32, #tpu.memory_space<vmem>>[vector<16xi32>], vector<16xf32>,
    %add3A_438 = arith.addf %add3A_433, %gather3A_437 : vector<16xf32>
    %add3A_439 = arith.constant 5 : i32
    %add3A_440 = vector.broadcast %add3A_439 : i32 to vector<16xi32>
    %add3A_441 = arith.addi %mul3A_417, %add3A_440 : vector<16xi32>
    %gather3A_442 = tpu.vector_load_idx %arg18[%add3A_441] : memref<2048xf32, #tpu.memory_space<vmem>>[vector<16xi32>], vector<16xf32>,
    %add3A_443 = arith.addf %add3A_438, %gather3A_442 : vector<16xf32>
    %add3A_444 = arith.constant 6 : i32
    %add3A_445 = vector.broadcast %add3A_444 : i32 to vector<16xi32>
    %add3A_446 = arith.addi %mul3A_417, %add3A_445 : vector<16xi32>
    %gather3A_447 = tpu.vector_load_idx %arg18[%add3A_446] : memref<2048xf32, #tpu.memory_space<vmem>>[vector<16xi32>], vector<16xf32>,
    %add3A_448 = arith.addf %add3A_443, %gather3A_447 : vector<16xf32>
    %add3A_449 = arith.constant 7 : i32
    %add3A_450 = vector.broadcast %add3A_449 : i32 to vector<16xi32>
    %add3A_451 = arith.addi %mul3A_417, %add3A_450 : vector<16xi32>
    %gather3A_452 = tpu.vector_load_idx %arg18[%add3A_451] : memref<2048xf32, #tpu.memory_space<vmem>>[vector<16xi32>], vector<16xf32>,
    %add3A_453 = arith.addf %add3A_448, %gather3A_452 : vector<16xf32>
    %add3A_454 = arith.constant 8 : i32
    %add3A_455 = vector.broadcast %add3A_454 : i32 to vector<16xi32>
    %add3A_456 = arith.addi %mul3A_417, %add3A_455 : vector<16xi32>
    %gather3A_457 = tpu.vector_load_idx %arg18[%add3A_456] : memref<2048xf32, #tpu.memory_space<vmem>>[vector<16xi32>], vector<16xf32>,
    %add3A_458 = arith.addf %add3A_453, %gather3A_457 : vector<16xf32>
    %add3A_459 = arith.constant 9 : i32
    %add3A_460 = vector.broadcast %add3A_459 : i32 to vector<16xi32>
    %add3A_461 = arith.addi %mul3A_417, %add3A_460 : vector<16xi32>
    %gather3A_462 = tpu.vector_load_idx %arg18[%add3A_461] : memref<2048xf32, #tpu.memory_space<vmem>>[vector<16xi32>], vector<16xf32>,
    %add3A_463 = arith.addf %add3A_458, %gather3A_462 : vector<16xf32>
    %add3A_464 = arith.constant 10 : i32
    %add3A_465 = vector.broadcast %add3A_464 : i32 to vector<16xi32>
    %add3A_466 = arith.addi %mul3A_417, %add3A_465 : vector<16xi32>
    %gather3A_467 = tpu.vector_load_idx %arg18[%add3A_466] : memref<2048xf32, #tpu.memory_space<vmem>>[vector<16xi32>], vector<16xf32>,
    %add3A_468 = arith.addf %add3A_463, %gather3A_467 : vector<16xf32>
    %add3A_469 = arith.constant 11 : i32
    %add3A_470 = vector.broadcast %add3A_469 : i32 to vector<16xi32>
    %add3A_471 = arith.addi %mul3A_417, %add3A_470 : vector<16xi32>
    %gather3A_472 = tpu.vector_load_idx %arg18[%add3A_471] : memref<2048xf32, #tpu.memory_space<vmem>>[vector<16xi32>], vector<16xf32>,
    %add3A_473 = arith.addf %add3A_468, %gather3A_472 : vector<16xf32>
    %add3A_474 = arith.constant 12 : i32
    %add3A_475 = vector.broadcast %add3A_474 : i32 to vector<16xi32>
    %add3A_476 = arith.addi %mul3A_417, %add3A_475 : vector<16xi32>
    %gather3A_477 = tpu.vector_load_idx %arg18[%add3A_476] : memref<2048xf32, #tpu.memory_space<vmem>>[vector<16xi32>], vector<16xf32>,
    %add3A_478 = arith.addf %add3A_473, %gather3A_477 : vector<16xf32>
    %add3A_479 = arith.constant 13 : i32
    %add3A_480 = vector.broadcast %add3A_479 : i32 to vector<16xi32>
    %add3A_481 = arith.addi %mul3A_417, %add3A_480 : vector<16xi32>
    %gather3A_482 = tpu.vector_load_idx %arg18[%add3A_481] : memref<2048xf32, #tpu.memory_space<vmem>>[vector<16xi32>], vector<16xf32>,
    %add3A_483 = arith.addf %add3A_478, %gather3A_482 : vector<16xf32>
    %add3A_484 = arith.constant 14 : i32
    %add3A_485 = vector.broadcast %add3A_484 : i32 to vector<16xi32>
    %add3A_486 = arith.addi %mul3A_417, %add3A_485 : vector<16xi32>
    %gather3A_487 = tpu.vector_load_idx %arg18[%add3A_486] : memref<2048xf32, #tpu.memory_space<vmem>>[vector<16xi32>], vector<16xf32>,
    %add3A_488 = arith.addf %add3A_483, %gather3A_487 : vector<16xf32>
    %add3A_489 = arith.constant 15 : i32
    %add3A_490 = vector.broadcast %add3A_489 : i32 to vector<16xi32>
    %add3A_491 = arith.addi %mul3A_417, %add3A_490 : vector<16xi32>
    %gather3A_492 = tpu.vector_load_idx %arg18[%add3A_491] : memref<2048xf32, #tpu.memory_space<vmem>>[vector<16xi32>], vector<16xf32>,
    %add3A_493 = arith.addf %add3A_488, %gather3A_492 : vector<16xf32>
    %swap3A_494 = arith.constant 32 : index
    %swap3A_495 = tpu.vector_load %arg19[%swap3A_494] {strides = array<i32>} : memref<128xf32, #tpu.memory_space<vmem>>, vector<16xf32>,
    tpu.vector_store %arg19[%swap3A_494], %add3A_493 {strides = array<i32>} : memref<128xf32, #tpu.memory_space<vmem>>, vector<16xf32>,
    %iota3A_496 = tpu.iota {dimensions = array<i32: 0>} : vector<16xi32>
    %add3A_497 = arith.constant 48 : i32
    %add3A_498 = vector.broadcast %add3A_497 : i32 to vector<16xi32>
    %add3A_499 = arith.addi %add3A_498, %iota3A_496 : vector<16xi32>
    %mul3A_500 = arith.constant 16 : i32
    %mul3A_501 = vector.broadcast %mul3A_500 : i32 to vector<16xi32>
    %mul3A_502 = arith.muli %add3A_499, %mul3A_501 : vector<16xi32>
    %gather3A_503 = tpu.vector_load_idx %arg18[%mul3A_502] : memref<2048xf32, #tpu.memory_space<vmem>>[vector<16xi32>], vector<16xf32>,
    %add3A_504 = arith.constant 1 : i32
    %add3A_505 = vector.broadcast %add3A_504 : i32 to vector<16xi32>
    %add3A_506 = arith.addi %mul3A_502, %add3A_505 : vector<16xi32>
    %gather3A_507 = tpu.vector_load_idx %arg18[%add3A_506] : memref<2048xf32, #tpu.memory_space<vmem>>[vector<16xi32>], vector<16xf32>,
    %add3A_508 = arith.addf %gather3A_503, %gather3A_507 : vector<16xf32>
    %add3A_509 = arith.constant 2 : i32
    %add3A_510 = vector.broadcast %add3A_509 : i32 to vector<16xi32>
    %add3A_511 = arith.addi %mul3A_502, %add3A_510 : vector<16xi32>
    %gather3A_512 = tpu.vector_load_idx %arg18[%add3A_511] : memref<2048xf32, #tpu.memory_space<vmem>>[vector<16xi32>], vector<16xf32>,
    %add3A_513 = arith.addf %add3A_508, %gather3A_512 : vector<16xf32>
    %add3A_514 = arith.constant 3 : i32
    %add3A_515 = vector.broadcast %add3A_514 : i32 to vector<16xi32>
    %add3A_516 = arith.addi %mul3A_502, %add3A_515 : vector<16xi32>
    %gather3A_517 = tpu.vector_load_idx %arg18[%add3A_516] : memref<2048xf32, #tpu.memory_space<vmem>>[vector<16xi32>], vector<16xf32>,
    %add3A_518 = arith.addf %add3A_513, %gather3A_517 : vector<16xf32>
    %add3A_519 = arith.constant 4 : i32
    %add3A_520 = vector.broadcast %add3A_519 : i32 to vector<16xi32>
    %add3A_521 = arith.addi %mul3A_502, %add3A_520 : vector<16xi32>
    %gather3A_522 = tpu.vector_load_idx %arg18[%add3A_521] : memref<2048xf32, #tpu.memory_space<vmem>>[vector<16xi32>], vector<16xf32>,
    %add3A_523 = arith.addf %add3A_518, %gather3A_522 : vector<16xf32>
    %add3A_524 = arith.constant 5 : i32
    %add3A_525 = vector.broadcast %add3A_524 : i32 to vector<16xi32>
    %add3A_526 = arith.addi %mul3A_502, %add3A_525 : vector<16xi32>
    %gather3A_527 = tpu.vector_load_idx %arg18[%add3A_526] : memref<2048xf32, #tpu.memory_space<vmem>>[vector<16xi32>], vector<16xf32>,
    %add3A_528 = arith.addf %add3A_523, %gather3A_527 : vector<16xf32>
    %add3A_529 = arith.constant 6 : i32
    %add3A_530 = vector.broadcast %add3A_529 : i32 to vector<16xi32>
    %add3A_531 = arith.addi %mul3A_502, %add3A_530 : vector<16xi32>
    %gather3A_532 = tpu.vector_load_idx %arg18[%add3A_531] : memref<2048xf32, #tpu.memory_space<vmem>>[vector<16xi32>], vector<16xf32>,
    %add3A_533 = arith.addf %add3A_528, %gather3A_532 : vector<16xf32>
    %add3A_534 = arith.constant 7 : i32
    %add3A_535 = vector.broadcast %add3A_534 : i32 to vector<16xi32>
    %add3A_536 = arith.addi %mul3A_502, %add3A_535 : vector<16xi32>
    %gather3A_537 = tpu.vector_load_idx %arg18[%add3A_536] : memref<2048xf32, #tpu.memory_space<vmem>>[vector<16xi32>], vector<16xf32>,
    %add3A_538 = arith.addf %add3A_533, %gather3A_537 : vector<16xf32>
    %add3A_539 = arith.constant 8 : i32
    %add3A_540 = vector.broadcast %add3A_539 : i32 to vector<16xi32>
    %add3A_541 = arith.addi %mul3A_502, %add3A_540 : vector<16xi32>
    %gather3A_542 = tpu.vector_load_idx %arg18[%add3A_541] : memref<2048xf32, #tpu.memory_space<vmem>>[vector<16xi32>], vector<16xf32>,
    %add3A_543 = arith.addf %add3A_538, %gather3A_542 : vector<16xf32>
    %add3A_544 = arith.constant 9 : i32
    %add3A_545 = vector.broadcast %add3A_544 : i32 to vector<16xi32>
    %add3A_546 = arith.addi %mul3A_502, %add3A_545 : vector<16xi32>
    %gather3A_547 = tpu.vector_load_idx %arg18[%add3A_546] : memref<2048xf32, #tpu.memory_space<vmem>>[vector<16xi32>], vector<16xf32>,
    %add3A_548 = arith.addf %add3A_543, %gather3A_547 : vector<16xf32>
    %add3A_549 = arith.constant 10 : i32
    %add3A_550 = vector.broadcast %add3A_549 : i32 to vector<16xi32>
    %add3A_551 = arith.addi %mul3A_502, %add3A_550 : vector<16xi32>
    %gather3A_552 = tpu.vector_load_idx %arg18[%add3A_551] : memref<2048xf32, #tpu.memory_space<vmem>>[vector<16xi32>], vector<16xf32>,
    %add3A_553 = arith.addf %add3A_548, %gather3A_552 : vector<16xf32>
    %add3A_554 = arith.constant 11 : i32
    %add3A_555 = vector.broadcast %add3A_554 : i32 to vector<16xi32>
    %add3A_556 = arith.addi %mul3A_502, %add3A_555 : vector<16xi32>
    %gather3A_557 = tpu.vector_load_idx %arg18[%add3A_556] : memref<2048xf32, #tpu.memory_space<vmem>>[vector<16xi32>], vector<16xf32>,
    %add3A_558 = arith.addf %add3A_553, %gather3A_557 : vector<16xf32>
    %add3A_559 = arith.constant 12 : i32
    %add3A_560 = vector.broadcast %add3A_559 : i32 to vector<16xi32>
    %add3A_561 = arith.addi %mul3A_502, %add3A_560 : vector<16xi32>
    %gather3A_562 = tpu.vector_load_idx %arg18[%add3A_561] : memref<2048xf32, #tpu.memory_space<vmem>>[vector<16xi32>], vector<16xf32>,
    %add3A_563 = arith.addf %add3A_558, %gather3A_562 : vector<16xf32>
    %add3A_564 = arith.constant 13 : i32
    %add3A_565 = vector.broadcast %add3A_564 : i32 to vector<16xi32>
    %add3A_566 = arith.addi %mul3A_502, %add3A_565 : vector<16xi32>
    %gather3A_567 = tpu.vector_load_idx %arg18[%add3A_566] : memref<2048xf32, #tpu.memory_space<vmem>>[vector<16xi32>], vector<16xf32>,
    %add3A_568 = arith.addf %add3A_563, %gather3A_567 : vector<16xf32>
    %add3A_569 = arith.constant 14 : i32
    %add3A_570 = vector.broadcast %add3A_569 : i32 to vector<16xi32>
    %add3A_571 = arith.addi %mul3A_502, %add3A_570 : vector<16xi32>
    %gather3A_572 = tpu.vector_load_idx %arg18[%add3A_571] : memref<2048xf32, #tpu.memory_space<vmem>>[vector<16xi32>], vector<16xf32>,
    %add3A_573 = arith.addf %add3A_568, %gather3A_572 : vector<16xf32>
    %add3A_574 = arith.constant 15 : i32
    %add3A_575 = vector.broadcast %add3A_574 : i32 to vector<16xi32>
    %add3A_576 = arith.addi %mul3A_502, %add3A_575 : vector<16xi32>
    %gather3A_577 = tpu.vector_load_idx %arg18[%add3A_576] : memref<2048xf32, #tpu.memory_space<vmem>>[vector<16xi32>], vector<16xf32>,
    %add3A_578 = arith.addf %add3A_573, %gather3A_577 : vector<16xf32>
    %swap3A_579 = arith.constant 48 : index
    %swap3A_580 = tpu.vector_load %arg19[%swap3A_579] {strides = array<i32>} : memref<128xf32, #tpu.memory_space<vmem>>, vector<16xf32>,
    tpu.vector_store %arg19[%swap3A_579], %add3A_578 {strides = array<i32>} : memref<128xf32, #tpu.memory_space<vmem>>, vector<16xf32>,
    %iota3A_581 = tpu.iota {dimensions = array<i32: 0>} : vector<16xi32>
    %add3A_582 = arith.constant 64 : i32
    %add3A_583 = vector.broadcast %add3A_582 : i32 to vector<16xi32>
    %add3A_584 = arith.addi %add3A_583, %iota3A_581 : vector<16xi32>
    %mul3A_585 = arith.constant 16 : i32
    %mul3A_586 = vector.broadcast %mul3A_585 : i32 to vector<16xi32>
    %mul3A_587 = arith.muli %add3A_584, %mul3A_586 : vector<16xi32>
    %gather3A_588 = tpu.vector_load_idx %arg18[%mul3A_587] : memref<2048xf32, #tpu.memory_space<vmem>>[vector<16xi32>], vector<16xf32>,
    %add3A_589 = arith.constant 1 : i32
    %add3A_590 = vector.broadcast %add3A_589 : i32 to vector<16xi32>
    %add3A_591 = arith.addi %mul3A_587, %add3A_590 : vector<16xi32>
    %gather3A_592 = tpu.vector_load_idx %arg18[%add3A_591] : memref<2048xf32, #tpu.memory_space<vmem>>[vector<16xi32>], vector<16xf32>,
    %add3A_593 = arith.addf %gather3A_588, %gather3A_592 : vector<16xf32>
    %add3A_594 = arith.constant 2 : i32
    %add3A_595 = vector.broadcast %add3A_594 : i32 to vector<16xi32>
    %add3A_596 = arith.addi %mul3A_587, %add3A_595 : vector<16xi32>
    %gather3A_597 = tpu.vector_load_idx %arg18[%add3A_596] : memref<2048xf32, #tpu.memory_space<vmem>>[vector<16xi32>], vector<16xf32>,
    %add3A_598 = arith.addf %add3A_593, %gather3A_597 : vector<16xf32>
    %add3A_599 = arith.constant 3 : i32
    %add3A_600 = vector.broadcast %add3A_599 : i32 to vector<16xi32>
    %add3A_601 = arith.addi %mul3A_587, %add3A_600 : vector<16xi32>
    %gather3A_602 = tpu.vector_load_idx %arg18[%add3A_601] : memref<2048xf32, #tpu.memory_space<vmem>>[vector<16xi32>], vector<16xf32>,
    %add3A_603 = arith.addf %add3A_598, %gather3A_602 : vector<16xf32>
    %add3A_604 = arith.constant 4 : i32
    %add3A_605 = vector.broadcast %add3A_604 : i32 to vector<16xi32>
    %add3A_606 = arith.addi %mul3A_587, %add3A_605 : vector<16xi32>
    %gather3A_607 = tpu.vector_load_idx %arg18[%add3A_606] : memref<2048xf32, #tpu.memory_space<vmem>>[vector<16xi32>], vector<16xf32>,
    %add3A_608 = arith.addf %add3A_603, %gather3A_607 : vector<16xf32>
    %add3A_609 = arith.constant 5 : i32
    %add3A_610 = vector.broadcast %add3A_609 : i32 to vector<16xi32>
    %add3A_611 = arith.addi %mul3A_587, %add3A_610 : vector<16xi32>
    %gather3A_612 = tpu.vector_load_idx %arg18[%add3A_611] : memref<2048xf32, #tpu.memory_space<vmem>>[vector<16xi32>], vector<16xf32>,
    %add3A_613 = arith.addf %add3A_608, %gather3A_612 : vector<16xf32>
    %add3A_614 = arith.constant 6 : i32
    %add3A_615 = vector.broadcast %add3A_614 : i32 to vector<16xi32>
    %add3A_616 = arith.addi %mul3A_587, %add3A_615 : vector<16xi32>
    %gather3A_617 = tpu.vector_load_idx %arg18[%add3A_616] : memref<2048xf32, #tpu.memory_space<vmem>>[vector<16xi32>], vector<16xf32>,
    %add3A_618 = arith.addf %add3A_613, %gather3A_617 : vector<16xf32>
    %add3A_619 = arith.constant 7 : i32
    %add3A_620 = vector.broadcast %add3A_619 : i32 to vector<16xi32>
    %add3A_621 = arith.addi %mul3A_587, %add3A_620 : vector<16xi32>
    %gather3A_622 = tpu.vector_load_idx %arg18[%add3A_621] : memref<2048xf32, #tpu.memory_space<vmem>>[vector<16xi32>], vector<16xf32>,
    %add3A_623 = arith.addf %add3A_618, %gather3A_622 : vector<16xf32>
    %add3A_624 = arith.constant 8 : i32
    %add3A_625 = vector.broadcast %add3A_624 : i32 to vector<16xi32>
    %add3A_626 = arith.addi %mul3A_587, %add3A_625 : vector<16xi32>
    %gather3A_627 = tpu.vector_load_idx %arg18[%add3A_626] : memref<2048xf32, #tpu.memory_space<vmem>>[vector<16xi32>], vector<16xf32>,
    %add3A_628 = arith.addf %add3A_623, %gather3A_627 : vector<16xf32>
    %add3A_629 = arith.constant 9 : i32
    %add3A_630 = vector.broadcast %add3A_629 : i32 to vector<16xi32>
    %add3A_631 = arith.addi %mul3A_587, %add3A_630 : vector<16xi32>
    %gather3A_632 = tpu.vector_load_idx %arg18[%add3A_631] : memref<2048xf32, #tpu.memory_space<vmem>>[vector<16xi32>], vector<16xf32>,
    %add3A_633 = arith.addf %add3A_628, %gather3A_632 : vector<16xf32>
    %add3A_634 = arith.constant 10 : i32
    %add3A_635 = vector.broadcast %add3A_634 : i32 to vector<16xi32>
    %add3A_636 = arith.addi %mul3A_587, %add3A_635 : vector<16xi32>
    %gather3A_637 = tpu.vector_load_idx %arg18[%add3A_636] : memref<2048xf32, #tpu.memory_space<vmem>>[vector<16xi32>], vector<16xf32>,
    %add3A_638 = arith.addf %add3A_633, %gather3A_637 : vector<16xf32>
    %add3A_639 = arith.constant 11 : i32
    %add3A_640 = vector.broadcast %add3A_639 : i32 to vector<16xi32>
    %add3A_641 = arith.addi %mul3A_587, %add3A_640 : vector<16xi32>
    %gather3A_642 = tpu.vector_load_idx %arg18[%add3A_641] : memref<2048xf32, #tpu.memory_space<vmem>>[vector<16xi32>], vector<16xf32>,
    %add3A_643 = arith.addf %add3A_638, %gather3A_642 : vector<16xf32>
    %add3A_644 = arith.constant 12 : i32
    %add3A_645 = vector.broadcast %add3A_644 : i32 to vector<16xi32>
    %add3A_646 = arith.addi %mul3A_587, %add3A_645 : vector<16xi32>
    %gather3A_647 = tpu.vector_load_idx %arg18[%add3A_646] : memref<2048xf32, #tpu.memory_space<vmem>>[vector<16xi32>], vector<16xf32>,
    %add3A_648 = arith.addf %add3A_643, %gather3A_647 : vector<16xf32>
    %add3A_649 = arith.constant 13 : i32
    %add3A_650 = vector.broadcast %add3A_649 : i32 to vector<16xi32>
    %add3A_651 = arith.addi %mul3A_587, %add3A_650 : vector<16xi32>
    %gather3A_652 = tpu.vector_load_idx %arg18[%add3A_651] : memref<2048xf32, #tpu.memory_space<vmem>>[vector<16xi32>], vector<16xf32>,
    %add3A_653 = arith.addf %add3A_648, %gather3A_652 : vector<16xf32>
    %add3A_654 = arith.constant 14 : i32
    %add3A_655 = vector.broadcast %add3A_654 : i32 to vector<16xi32>
    %add3A_656 = arith.addi %mul3A_587, %add3A_655 : vector<16xi32>
    %gather3A_657 = tpu.vector_load_idx %arg18[%add3A_656] : memref<2048xf32, #tpu.memory_space<vmem>>[vector<16xi32>], vector<16xf32>,
    %add3A_658 = arith.addf %add3A_653, %gather3A_657 : vector<16xf32>
    %add3A_659 = arith.constant 15 : i32
    %add3A_660 = vector.broadcast %add3A_659 : i32 to vector<16xi32>
    %add3A_661 = arith.addi %mul3A_587, %add3A_660 : vector<16xi32>
    %gather3A_662 = tpu.vector_load_idx %arg18[%add3A_661] : memref<2048xf32, #tpu.memory_space<vmem>>[vector<16xi32>], vector<16xf32>,
    %add3A_663 = arith.addf %add3A_658, %gather3A_662 : vector<16xf32>
    %swap3A_664 = arith.constant 64 : index
    %swap3A_665 = tpu.vector_load %arg19[%swap3A_664] {strides = array<i32>} : memref<128xf32, #tpu.memory_space<vmem>>, vector<16xf32>,
    tpu.vector_store %arg19[%swap3A_664], %add3A_663 {strides = array<i32>} : memref<128xf32, #tpu.memory_space<vmem>>, vector<16xf32>,
    %iota3A_666 = tpu.iota {dimensions = array<i32: 0>} : vector<16xi32>
    %add3A_667 = arith.constant 80 : i32
    %add3A_668 = vector.broadcast %add3A_667 : i32 to vector<16xi32>
    %add3A_669 = arith.addi %add3A_668, %iota3A_666 : vector<16xi32>
    %mul3A_670 = arith.constant 16 : i32
    %mul3A_671 = vector.broadcast %mul3A_670 : i32 to vector<16xi32>
    %mul3A_672 = arith.muli %add3A_669, %mul3A_671 : vector<16xi32>
    %gather3A_673 = tpu.vector_load_idx %arg18[%mul3A_672] : memref<2048xf32, #tpu.memory_space<vmem>>[vector<16xi32>], vector<16xf32>,
    %add3A_674 = arith.constant 1 : i32
    %add3A_675 = vector.broadcast %add3A_674 : i32 to vector<16xi32>
    %add3A_676 = arith.addi %mul3A_672, %add3A_675 : vector<16xi32>
    %gather3A_677 = tpu.vector_load_idx %arg18[%add3A_676] : memref<2048xf32, #tpu.memory_space<vmem>>[vector<16xi32>], vector<16xf32>,
    %add3A_678 = arith.addf %gather3A_673, %gather3A_677 : vector<16xf32>
    %add3A_679 = arith.constant 2 : i32
    %add3A_680 = vector.broadcast %add3A_679 : i32 to vector<16xi32>
    %add3A_681 = arith.addi %mul3A_672, %add3A_680 : vector<16xi32>
    %gather3A_682 = tpu.vector_load_idx %arg18[%add3A_681] : memref<2048xf32, #tpu.memory_space<vmem>>[vector<16xi32>], vector<16xf32>,
    %add3A_683 = arith.addf %add3A_678, %gather3A_682 : vector<16xf32>
    %add3A_684 = arith.constant 3 : i32
    %add3A_685 = vector.broadcast %add3A_684 : i32 to vector<16xi32>
    %add3A_686 = arith.addi %mul3A_672, %add3A_685 : vector<16xi32>
    %gather3A_687 = tpu.vector_load_idx %arg18[%add3A_686] : memref<2048xf32, #tpu.memory_space<vmem>>[vector<16xi32>], vector<16xf32>,
    %add3A_688 = arith.addf %add3A_683, %gather3A_687 : vector<16xf32>
    %add3A_689 = arith.constant 4 : i32
    %add3A_690 = vector.broadcast %add3A_689 : i32 to vector<16xi32>
    %add3A_691 = arith.addi %mul3A_672, %add3A_690 : vector<16xi32>
    %gather3A_692 = tpu.vector_load_idx %arg18[%add3A_691] : memref<2048xf32, #tpu.memory_space<vmem>>[vector<16xi32>], vector<16xf32>,
    %add3A_693 = arith.addf %add3A_688, %gather3A_692 : vector<16xf32>
    %add3A_694 = arith.constant 5 : i32
    %add3A_695 = vector.broadcast %add3A_694 : i32 to vector<16xi32>
    %add3A_696 = arith.addi %mul3A_672, %add3A_695 : vector<16xi32>
    %gather3A_697 = tpu.vector_load_idx %arg18[%add3A_696] : memref<2048xf32, #tpu.memory_space<vmem>>[vector<16xi32>], vector<16xf32>,
    %add3A_698 = arith.addf %add3A_693, %gather3A_697 : vector<16xf32>
    %add3A_699 = arith.constant 6 : i32
    %add3A_700 = vector.broadcast %add3A_699 : i32 to vector<16xi32>
    %add3A_701 = arith.addi %mul3A_672, %add3A_700 : vector<16xi32>
    %gather3A_702 = tpu.vector_load_idx %arg18[%add3A_701] : memref<2048xf32, #tpu.memory_space<vmem>>[vector<16xi32>], vector<16xf32>,
    %add3A_703 = arith.addf %add3A_698, %gather3A_702 : vector<16xf32>
    %add3A_704 = arith.constant 7 : i32
    %add3A_705 = vector.broadcast %add3A_704 : i32 to vector<16xi32>
    %add3A_706 = arith.addi %mul3A_672, %add3A_705 : vector<16xi32>
    %gather3A_707 = tpu.vector_load_idx %arg18[%add3A_706] : memref<2048xf32, #tpu.memory_space<vmem>>[vector<16xi32>], vector<16xf32>,
    %add3A_708 = arith.addf %add3A_703, %gather3A_707 : vector<16xf32>
    %add3A_709 = arith.constant 8 : i32
    %add3A_710 = vector.broadcast %add3A_709 : i32 to vector<16xi32>
    %add3A_711 = arith.addi %mul3A_672, %add3A_710 : vector<16xi32>
    %gather3A_712 = tpu.vector_load_idx %arg18[%add3A_711] : memref<2048xf32, #tpu.memory_space<vmem>>[vector<16xi32>], vector<16xf32>,
    %add3A_713 = arith.addf %add3A_708, %gather3A_712 : vector<16xf32>
    %add3A_714 = arith.constant 9 : i32
    %add3A_715 = vector.broadcast %add3A_714 : i32 to vector<16xi32>
    %add3A_716 = arith.addi %mul3A_672, %add3A_715 : vector<16xi32>
    %gather3A_717 = tpu.vector_load_idx %arg18[%add3A_716] : memref<2048xf32, #tpu.memory_space<vmem>>[vector<16xi32>], vector<16xf32>,
    %add3A_718 = arith.addf %add3A_713, %gather3A_717 : vector<16xf32>
    %add3A_719 = arith.constant 10 : i32
    %add3A_720 = vector.broadcast %add3A_719 : i32 to vector<16xi32>
    %add3A_721 = arith.addi %mul3A_672, %add3A_720 : vector<16xi32>
    %gather3A_722 = tpu.vector_load_idx %arg18[%add3A_721] : memref<2048xf32, #tpu.memory_space<vmem>>[vector<16xi32>], vector<16xf32>,
    %add3A_723 = arith.addf %add3A_718, %gather3A_722 : vector<16xf32>
    %add3A_724 = arith.constant 11 : i32
    %add3A_725 = vector.broadcast %add3A_724 : i32 to vector<16xi32>
    %add3A_726 = arith.addi %mul3A_672, %add3A_725 : vector<16xi32>
    %gather3A_727 = tpu.vector_load_idx %arg18[%add3A_726] : memref<2048xf32, #tpu.memory_space<vmem>>[vector<16xi32>], vector<16xf32>,
    %add3A_728 = arith.addf %add3A_723, %gather3A_727 : vector<16xf32>
    %add3A_729 = arith.constant 12 : i32
    %add3A_730 = vector.broadcast %add3A_729 : i32 to vector<16xi32>
    %add3A_731 = arith.addi %mul3A_672, %add3A_730 : vector<16xi32>
    %gather3A_732 = tpu.vector_load_idx %arg18[%add3A_731] : memref<2048xf32, #tpu.memory_space<vmem>>[vector<16xi32>], vector<16xf32>,
    %add3A_733 = arith.addf %add3A_728, %gather3A_732 : vector<16xf32>
    %add3A_734 = arith.constant 13 : i32
    %add3A_735 = vector.broadcast %add3A_734 : i32 to vector<16xi32>
    %add3A_736 = arith.addi %mul3A_672, %add3A_735 : vector<16xi32>
    %gather3A_737 = tpu.vector_load_idx %arg18[%add3A_736] : memref<2048xf32, #tpu.memory_space<vmem>>[vector<16xi32>], vector<16xf32>,
    %add3A_738 = arith.addf %add3A_733, %gather3A_737 : vector<16xf32>
    %add3A_739 = arith.constant 14 : i32
    %add3A_740 = vector.broadcast %add3A_739 : i32 to vector<16xi32>
    %add3A_741 = arith.addi %mul3A_672, %add3A_740 : vector<16xi32>
    %gather3A_742 = tpu.vector_load_idx %arg18[%add3A_741] : memref<2048xf32, #tpu.memory_space<vmem>>[vector<16xi32>], vector<16xf32>,
    %add3A_743 = arith.addf %add3A_738, %gather3A_742 : vector<16xf32>
    %add3A_744 = arith.constant 15 : i32
    %add3A_745 = vector.broadcast %add3A_744 : i32 to vector<16xi32>
    %add3A_746 = arith.addi %mul3A_672, %add3A_745 : vector<16xi32>
    %gather3A_747 = tpu.vector_load_idx %arg18[%add3A_746] : memref<2048xf32, #tpu.memory_space<vmem>>[vector<16xi32>], vector<16xf32>,
    %add3A_748 = arith.addf %add3A_743, %gather3A_747 : vector<16xf32>
    %swap3A_749 = arith.constant 80 : index
    %swap3A_750 = tpu.vector_load %arg19[%swap3A_749] {strides = array<i32>} : memref<128xf32, #tpu.memory_space<vmem>>, vector<16xf32>,
    tpu.vector_store %arg19[%swap3A_749], %add3A_748 {strides = array<i32>} : memref<128xf32, #tpu.memory_space<vmem>>, vector<16xf32>,
    %iota3A_751 = tpu.iota {dimensions = array<i32: 0>} : vector<16xi32>
    %add3A_752 = arith.constant 96 : i32
    %add3A_753 = vector.broadcast %add3A_752 : i32 to vector<16xi32>
    %add3A_754 = arith.addi %add3A_753, %iota3A_751 : vector<16xi32>
    %mul3A_755 = arith.constant 16 : i32
    %mul3A_756 = vector.broadcast %mul3A_755 : i32 to vector<16xi32>
    %mul3A_757 = arith.muli %add3A_754, %mul3A_756 : vector<16xi32>
    %gather3A_758 = tpu.vector_load_idx %arg18[%mul3A_757] : memref<2048xf32, #tpu.memory_space<vmem>>[vector<16xi32>], vector<16xf32>,
    %add3A_759 = arith.constant 1 : i32
    %add3A_760 = vector.broadcast %add3A_759 : i32 to vector<16xi32>
    %add3A_761 = arith.addi %mul3A_757, %add3A_760 : vector<16xi32>
    %gather3A_762 = tpu.vector_load_idx %arg18[%add3A_761] : memref<2048xf32, #tpu.memory_space<vmem>>[vector<16xi32>], vector<16xf32>,
    %add3A_763 = arith.addf %gather3A_758, %gather3A_762 : vector<16xf32>
    %add3A_764 = arith.constant 2 : i32
    %add3A_765 = vector.broadcast %add3A_764 : i32 to vector<16xi32>
    %add3A_766 = arith.addi %mul3A_757, %add3A_765 : vector<16xi32>
    %gather3A_767 = tpu.vector_load_idx %arg18[%add3A_766] : memref<2048xf32, #tpu.memory_space<vmem>>[vector<16xi32>], vector<16xf32>,
    %add3A_768 = arith.addf %add3A_763, %gather3A_767 : vector<16xf32>
    %add3A_769 = arith.constant 3 : i32
    %add3A_770 = vector.broadcast %add3A_769 : i32 to vector<16xi32>
    %add3A_771 = arith.addi %mul3A_757, %add3A_770 : vector<16xi32>
    %gather3A_772 = tpu.vector_load_idx %arg18[%add3A_771] : memref<2048xf32, #tpu.memory_space<vmem>>[vector<16xi32>], vector<16xf32>,
    %add3A_773 = arith.addf %add3A_768, %gather3A_772 : vector<16xf32>
    %add3A_774 = arith.constant 4 : i32
    %add3A_775 = vector.broadcast %add3A_774 : i32 to vector<16xi32>
    %add3A_776 = arith.addi %mul3A_757, %add3A_775 : vector<16xi32>
    %gather3A_777 = tpu.vector_load_idx %arg18[%add3A_776] : memref<2048xf32, #tpu.memory_space<vmem>>[vector<16xi32>], vector<16xf32>,
    %add3A_778 = arith.addf %add3A_773, %gather3A_777 : vector<16xf32>
    %add3A_779 = arith.constant 5 : i32
    %add3A_780 = vector.broadcast %add3A_779 : i32 to vector<16xi32>
    %add3A_781 = arith.addi %mul3A_757, %add3A_780 : vector<16xi32>
    %gather3A_782 = tpu.vector_load_idx %arg18[%add3A_781] : memref<2048xf32, #tpu.memory_space<vmem>>[vector<16xi32>], vector<16xf32>,
    %add3A_783 = arith.addf %add3A_778, %gather3A_782 : vector<16xf32>
    %add3A_784 = arith.constant 6 : i32
    %add3A_785 = vector.broadcast %add3A_784 : i32 to vector<16xi32>
    %add3A_786 = arith.addi %mul3A_757, %add3A_785 : vector<16xi32>
    %gather3A_787 = tpu.vector_load_idx %arg18[%add3A_786] : memref<2048xf32, #tpu.memory_space<vmem>>[vector<16xi32>], vector<16xf32>,
    %add3A_788 = arith.addf %add3A_783, %gather3A_787 : vector<16xf32>
    %add3A_789 = arith.constant 7 : i32
    %add3A_790 = vector.broadcast %add3A_789 : i32 to vector<16xi32>
    %add3A_791 = arith.addi %mul3A_757, %add3A_790 : vector<16xi32>
    %gather3A_792 = tpu.vector_load_idx %arg18[%add3A_791] : memref<2048xf32, #tpu.memory_space<vmem>>[vector<16xi32>], vector<16xf32>,
    %add3A_793 = arith.addf %add3A_788, %gather3A_792 : vector<16xf32>
    %add3A_794 = arith.constant 8 : i32
    %add3A_795 = vector.broadcast %add3A_794 : i32 to vector<16xi32>
    %add3A_796 = arith.addi %mul3A_757, %add3A_795 : vector<16xi32>
    %gather3A_797 = tpu.vector_load_idx %arg18[%add3A_796] : memref<2048xf32, #tpu.memory_space<vmem>>[vector<16xi32>], vector<16xf32>,
    %add3A_798 = arith.addf %add3A_793, %gather3A_797 : vector<16xf32>
    %add3A_799 = arith.constant 9 : i32
    %add3A_800 = vector.broadcast %add3A_799 : i32 to vector<16xi32>
    %add3A_801 = arith.addi %mul3A_757, %add3A_800 : vector<16xi32>
    %gather3A_802 = tpu.vector_load_idx %arg18[%add3A_801] : memref<2048xf32, #tpu.memory_space<vmem>>[vector<16xi32>], vector<16xf32>,
    %add3A_803 = arith.addf %add3A_798, %gather3A_802 : vector<16xf32>
    %add3A_804 = arith.constant 10 : i32
    %add3A_805 = vector.broadcast %add3A_804 : i32 to vector<16xi32>
    %add3A_806 = arith.addi %mul3A_757, %add3A_805 : vector<16xi32>
    %gather3A_807 = tpu.vector_load_idx %arg18[%add3A_806] : memref<2048xf32, #tpu.memory_space<vmem>>[vector<16xi32>], vector<16xf32>,
    %add3A_808 = arith.addf %add3A_803, %gather3A_807 : vector<16xf32>
    %add3A_809 = arith.constant 11 : i32
    %add3A_810 = vector.broadcast %add3A_809 : i32 to vector<16xi32>
    %add3A_811 = arith.addi %mul3A_757, %add3A_810 : vector<16xi32>
    %gather3A_812 = tpu.vector_load_idx %arg18[%add3A_811] : memref<2048xf32, #tpu.memory_space<vmem>>[vector<16xi32>], vector<16xf32>,
    %add3A_813 = arith.addf %add3A_808, %gather3A_812 : vector<16xf32>
    %add3A_814 = arith.constant 12 : i32
    %add3A_815 = vector.broadcast %add3A_814 : i32 to vector<16xi32>
    %add3A_816 = arith.addi %mul3A_757, %add3A_815 : vector<16xi32>
    %gather3A_817 = tpu.vector_load_idx %arg18[%add3A_816] : memref<2048xf32, #tpu.memory_space<vmem>>[vector<16xi32>], vector<16xf32>,
    %add3A_818 = arith.addf %add3A_813, %gather3A_817 : vector<16xf32>
    %add3A_819 = arith.constant 13 : i32
    %add3A_820 = vector.broadcast %add3A_819 : i32 to vector<16xi32>
    %add3A_821 = arith.addi %mul3A_757, %add3A_820 : vector<16xi32>
    %gather3A_822 = tpu.vector_load_idx %arg18[%add3A_821] : memref<2048xf32, #tpu.memory_space<vmem>>[vector<16xi32>], vector<16xf32>,
    %add3A_823 = arith.addf %add3A_818, %gather3A_822 : vector<16xf32>
    %add3A_824 = arith.constant 14 : i32
    %add3A_825 = vector.broadcast %add3A_824 : i32 to vector<16xi32>
    %add3A_826 = arith.addi %mul3A_757, %add3A_825 : vector<16xi32>
    %gather3A_827 = tpu.vector_load_idx %arg18[%add3A_826] : memref<2048xf32, #tpu.memory_space<vmem>>[vector<16xi32>], vector<16xf32>,
    %add3A_828 = arith.addf %add3A_823, %gather3A_827 : vector<16xf32>
    %add3A_829 = arith.constant 15 : i32
    %add3A_830 = vector.broadcast %add3A_829 : i32 to vector<16xi32>
    %add3A_831 = arith.addi %mul3A_757, %add3A_830 : vector<16xi32>
    %gather3A_832 = tpu.vector_load_idx %arg18[%add3A_831] : memref<2048xf32, #tpu.memory_space<vmem>>[vector<16xi32>], vector<16xf32>,
    %add3A_833 = arith.addf %add3A_828, %gather3A_832 : vector<16xf32>
    %swap3A_834 = arith.constant 96 : index
    %swap3A_835 = tpu.vector_load %arg19[%swap3A_834] {strides = array<i32>} : memref<128xf32, #tpu.memory_space<vmem>>, vector<16xf32>,
    tpu.vector_store %arg19[%swap3A_834], %add3A_833 {strides = array<i32>} : memref<128xf32, #tpu.memory_space<vmem>>, vector<16xf32>,
    %iota3A_836 = tpu.iota {dimensions = array<i32: 0>} : vector<16xi32>
    %add3A_837 = arith.constant 112 : i32
    %add3A_838 = vector.broadcast %add3A_837 : i32 to vector<16xi32>
    %add3A_839 = arith.addi %add3A_838, %iota3A_836 : vector<16xi32>
    %mul3A_840 = arith.constant 16 : i32
    %mul3A_841 = vector.broadcast %mul3A_840 : i32 to vector<16xi32>
    %mul3A_842 = arith.muli %add3A_839, %mul3A_841 : vector<16xi32>
    %gather3A_843 = tpu.vector_load_idx %arg18[%mul3A_842] : memref<2048xf32, #tpu.memory_space<vmem>>[vector<16xi32>], vector<16xf32>,
    %add3A_844 = arith.constant 1 : i32
    %add3A_845 = vector.broadcast %add3A_844 : i32 to vector<16xi32>
    %add3A_846 = arith.addi %mul3A_842, %add3A_845 : vector<16xi32>
    %gather3A_847 = tpu.vector_load_idx %arg18[%add3A_846] : memref<2048xf32, #tpu.memory_space<vmem>>[vector<16xi32>], vector<16xf32>,
    %add3A_848 = arith.addf %gather3A_843, %gather3A_847 : vector<16xf32>
    %add3A_849 = arith.constant 2 : i32
    %add3A_850 = vector.broadcast %add3A_849 : i32 to vector<16xi32>
    %add3A_851 = arith.addi %mul3A_842, %add3A_850 : vector<16xi32>
    %gather3A_852 = tpu.vector_load_idx %arg18[%add3A_851] : memref<2048xf32, #tpu.memory_space<vmem>>[vector<16xi32>], vector<16xf32>,
    %add3A_853 = arith.addf %add3A_848, %gather3A_852 : vector<16xf32>
    %add3A_854 = arith.constant 3 : i32
    %add3A_855 = vector.broadcast %add3A_854 : i32 to vector<16xi32>
    %add3A_856 = arith.addi %mul3A_842, %add3A_855 : vector<16xi32>
    %gather3A_857 = tpu.vector_load_idx %arg18[%add3A_856] : memref<2048xf32, #tpu.memory_space<vmem>>[vector<16xi32>], vector<16xf32>,
    %add3A_858 = arith.addf %add3A_853, %gather3A_857 : vector<16xf32>
    %add3A_859 = arith.constant 4 : i32
    %add3A_860 = vector.broadcast %add3A_859 : i32 to vector<16xi32>
    %add3A_861 = arith.addi %mul3A_842, %add3A_860 : vector<16xi32>
    %gather3A_862 = tpu.vector_load_idx %arg18[%add3A_861] : memref<2048xf32, #tpu.memory_space<vmem>>[vector<16xi32>], vector<16xf32>,
    %add3A_863 = arith.addf %add3A_858, %gather3A_862 : vector<16xf32>
    %add3A_864 = arith.constant 5 : i32
    %add3A_865 = vector.broadcast %add3A_864 : i32 to vector<16xi32>
    %add3A_866 = arith.addi %mul3A_842, %add3A_865 : vector<16xi32>
    %gather3A_867 = tpu.vector_load_idx %arg18[%add3A_866] : memref<2048xf32, #tpu.memory_space<vmem>>[vector<16xi32>], vector<16xf32>,
    %add3A_868 = arith.addf %add3A_863, %gather3A_867 : vector<16xf32>
    %add3A_869 = arith.constant 6 : i32
    %add3A_870 = vector.broadcast %add3A_869 : i32 to vector<16xi32>
    %add3A_871 = arith.addi %mul3A_842, %add3A_870 : vector<16xi32>
    %gather3A_872 = tpu.vector_load_idx %arg18[%add3A_871] : memref<2048xf32, #tpu.memory_space<vmem>>[vector<16xi32>], vector<16xf32>,
    %add3A_873 = arith.addf %add3A_868, %gather3A_872 : vector<16xf32>
    %add3A_874 = arith.constant 7 : i32
    %add3A_875 = vector.broadcast %add3A_874 : i32 to vector<16xi32>
    %add3A_876 = arith.addi %mul3A_842, %add3A_875 : vector<16xi32>
    %gather3A_877 = tpu.vector_load_idx %arg18[%add3A_876] : memref<2048xf32, #tpu.memory_space<vmem>>[vector<16xi32>], vector<16xf32>,
    %add3A_878 = arith.addf %add3A_873, %gather3A_877 : vector<16xf32>
    %add3A_879 = arith.constant 8 : i32
    %add3A_880 = vector.broadcast %add3A_879 : i32 to vector<16xi32>
    %add3A_881 = arith.addi %mul3A_842, %add3A_880 : vector<16xi32>
    %gather3A_882 = tpu.vector_load_idx %arg18[%add3A_881] : memref<2048xf32, #tpu.memory_space<vmem>>[vector<16xi32>], vector<16xf32>,
    %add3A_883 = arith.addf %add3A_878, %gather3A_882 : vector<16xf32>
    %add3A_884 = arith.constant 9 : i32
    %add3A_885 = vector.broadcast %add3A_884 : i32 to vector<16xi32>
    %add3A_886 = arith.addi %mul3A_842, %add3A_885 : vector<16xi32>
    %gather3A_887 = tpu.vector_load_idx %arg18[%add3A_886] : memref<2048xf32, #tpu.memory_space<vmem>>[vector<16xi32>], vector<16xf32>,
    %add3A_888 = arith.addf %add3A_883, %gather3A_887 : vector<16xf32>
    %add3A_889 = arith.constant 10 : i32
    %add3A_890 = vector.broadcast %add3A_889 : i32 to vector<16xi32>
    %add3A_891 = arith.addi %mul3A_842, %add3A_890 : vector<16xi32>
    %gather3A_892 = tpu.vector_load_idx %arg18[%add3A_891] : memref<2048xf32, #tpu.memory_space<vmem>>[vector<16xi32>], vector<16xf32>,
    %add3A_893 = arith.addf %add3A_888, %gather3A_892 : vector<16xf32>
    %add3A_894 = arith.constant 11 : i32
    %add3A_895 = vector.broadcast %add3A_894 : i32 to vector<16xi32>
    %add3A_896 = arith.addi %mul3A_842, %add3A_895 : vector<16xi32>
    %gather3A_897 = tpu.vector_load_idx %arg18[%add3A_896] : memref<2048xf32, #tpu.memory_space<vmem>>[vector<16xi32>], vector<16xf32>,
    %add3A_898 = arith.addf %add3A_893, %gather3A_897 : vector<16xf32>
    %add3A_899 = arith.constant 12 : i32
    %add3A_900 = vector.broadcast %add3A_899 : i32 to vector<16xi32>
    %add3A_901 = arith.addi %mul3A_842, %add3A_900 : vector<16xi32>
    %gather3A_902 = tpu.vector_load_idx %arg18[%add3A_901] : memref<2048xf32, #tpu.memory_space<vmem>>[vector<16xi32>], vector<16xf32>,
    %add3A_903 = arith.addf %add3A_898, %gather3A_902 : vector<16xf32>
    %add3A_904 = arith.constant 13 : i32
    %add3A_905 = vector.broadcast %add3A_904 : i32 to vector<16xi32>
    %add3A_906 = arith.addi %mul3A_842, %add3A_905 : vector<16xi32>
    %gather3A_907 = tpu.vector_load_idx %arg18[%add3A_906] : memref<2048xf32, #tpu.memory_space<vmem>>[vector<16xi32>], vector<16xf32>,
    %add3A_908 = arith.addf %add3A_903, %gather3A_907 : vector<16xf32>
    %add3A_909 = arith.constant 14 : i32
    %add3A_910 = vector.broadcast %add3A_909 : i32 to vector<16xi32>
    %add3A_911 = arith.addi %mul3A_842, %add3A_910 : vector<16xi32>
    %gather3A_912 = tpu.vector_load_idx %arg18[%add3A_911] : memref<2048xf32, #tpu.memory_space<vmem>>[vector<16xi32>], vector<16xf32>,
    %add3A_913 = arith.addf %add3A_908, %gather3A_912 : vector<16xf32>
    %add3A_914 = arith.constant 15 : i32
    %add3A_915 = vector.broadcast %add3A_914 : i32 to vector<16xi32>
    %add3A_916 = arith.addi %mul3A_842, %add3A_915 : vector<16xi32>
    %gather3A_917 = tpu.vector_load_idx %arg18[%add3A_916] : memref<2048xf32, #tpu.memory_space<vmem>>[vector<16xi32>], vector<16xf32>,
    %add3A_918 = arith.addf %add3A_913, %gather3A_917 : vector<16xf32>
    %swap3A_919 = arith.constant 112 : index
    %swap3A_920 = tpu.vector_load %arg19[%swap3A_919] {strides = array<i32>} : memref<128xf32, #tpu.memory_space<vmem>>, vector<16xf32>,
    tpu.vector_store %arg19[%swap3A_919], %add3A_918 {strides = array<i32>} : memref<128xf32, #tpu.memory_space<vmem>>, vector<16xf32>,
    "tpu.region"() ({
      %run_scoped3A = tpu.sem_alloc : memref<!tpu.dma_semaphore, #tpu.memory_space<semaphore_mem>>
      %dma_start3A_921 = tpu.memref_slice %arg7[%mul3A_2] : memref<4096xf32, #tpu.memory_space<hbm>> -> memref<128xf32, #tpu.memory_space<hbm>>
      %dma_start3A_922 = tpu.memref_slice %arg7[%mul3A_2] : memref<4096xf32, #tpu.memory_space<hbm>> -> memref<128xf32, #tpu.memory_space<hbm>>
      tpu.enqueue_dma source(%arg19 : memref<128xf32, #tpu.memory_space<vmem>>) target(%dma_start3A_922 : memref<128xf32, #tpu.memory_space<hbm>>) target_semaphore(%run_scoped3A : memref<!tpu.dma_semaphore, #tpu.memory_space<semaphore_mem>>)
      %dma_wait3A_923 = tpu.memref_slice %arg7[%mul3A_2] : memref<4096xf32, #tpu.memory_space<hbm>> -> memref<128xf32, #tpu.memory_space<hbm>>
      %dma_wait3A_924 = tpu.memref_slice %arg7[%mul3A_2] : memref<4096xf32, #tpu.memory_space<hbm>> -> memref<128xf32, #tpu.memory_space<hbm>>
      tpu.wait_dma2 semaphore(%run_scoped3A : memref<!tpu.dma_semaphore, #tpu.memory_space<semaphore_mem>>) src(%arg19 : memref<128xf32, #tpu.memory_space<vmem>>) dst(%dma_wait3A_924 : memref<128xf32, #tpu.memory_space<hbm>>)
      tpu.yield
    }) : () -> ()
    return
  }
}

</mosaic_0001>

<sc_bundles>
// kernel: _complex_score.3.cloned.1.call-start
scs
__scs_entry_jumppad:
0x0: {  	(pc) =	sbr.rel $0x88, $3  }
0x1: {  	(tag) =	ssettag $0x0;
	lr =	simm.s32 $0x1  }
0x2: {  	[smem:$0x3F9C] =	sst lr;
	_ =	strace $0xD0000000  }
0x3: {  	_ = 	snop  }
0x4: {  	_ = 	snop  }
0x5: {  	_ = 	snop  }
0x6: {  	_ = 	snop  }
0x7: {  	_ = 	snop  }
__scs_overlays_trampoline_lowered:
0x8: {  	[smem:$0x3FAB] =	sst s0  }
0x9: {  	[smem:$0x3FAC] =	sst s1  }
0xa: {  	[smem:$0x3FAD] =	sst s2  }
0xb: {  	[smem:$0x3FAE] =	sst s3  }
0xc: {  	[smem:$0x3FAF] =	sst s4  }
0xd: {  	[smem:$0x3FB0] =	sst s5  }
0xe: {  	[smem:$0x3FB1] =	sst s6  }
0xf: {  	[smem:$0x3FB2] =	sst s7  }
0x10: {  	[smem:$0x3FB3] =	sst s8  }
0x11: {  	[smem:$0x3FB4] =	sst s9;
	s0 =	simm.s32 @!p0 $0x0  }
0x12: {  	s1 =	sld [smem:$0x3F9A];
	s0 =	simm.s32 @p0 $0x1  }
0x13: {  	[smem:$0x3FB5] =	sst s0;
	s0 =	simm.s32 @!p1 $0x0  }
0x14: {  	s2 =	sld [smem:$0x3F99];
	s0 =	simm.s32 @p1 $0x1  }
0x15: {  	[smem:$0x3FB6] =	sst s0;
	s0 =	simm.s32 @!p2 $0x0  }
0x16: {  	s3 =	sld [smem:$0x3FDB];
	s0 =	simm.s32 @p2 $0x1  }
0x17: {  	s4 =	simm.s32 $0x1BF5;
	[smem:$0x3FB8] =	sst s0  }
0x18: {  	s0 =	sld [smem:$0x3F9B];
	_ =	swait.ge [sflag:s4], $0x0  }
0x19: {  	s7 =	sld [smem:$0x3F9C]  }
0x1a: {  	s8 =	sadd.s32 $0xFFFFE003, lr  }
0x1b: {  	s9 =	sadd.s32 $0xFFFFFEF7, lr;
	s5 =	simm.s32 $0xFFFFFFFF;
	p2 =	slt.u32 s8, $0xFFFFF086  }
0x1c: {  	p1 =	slt.u32 s9, $0xF7A;
	s5 =	simm.s32 @!p2 $0x0  }
0x1d: {  	s5 =	simm.s32 @p1 $0x1;
	p0 =	seq.s32 s7, s2  }
0x1e: {  	s7 =	smul.u32 @!p0 $0xF7A, s2;
	p2 =	seq.s32 @!p0 s5, $0x0  }
0x1f: {  	s9 =	smul.u32 $0xF7A, s1;
	s8 =	simm.s32 @!p0 $0x1BF5;
	p2 =	por !p2, p0  }
0x20: {  	[sflag:s8] =	ssyncset.s32 @!p0 $0xFFFFF086;
	s6 =	sadd.s32 @!p0 s3, s7;
	s7 =	simm.s32 @!p0 $0x108  }
0x21: {  	s3 =	sadd.s32 s3, s9;
	s6 =	sadd.s32 @!p0 $0x88, s6;
	s7 =	simm.s32 @p2 $0x1082  }
0x22: {  	[simem:s7], [sflag:s8] =	dma.local @!p0 [hbm:s6], $0xF7A  }
0x23: {  	s9 =	sor.u32 $0xD0000000, s2;
	s6 =	simm.s32 $0x108;
	_ =	swait.ge @!p0 [sflag:s8], $0x0  }
0x24: {  	s3 =	sadd.s32 $0x88, s3;
	s6 =	simm.s32 @!p1 $0x1082;
	[sflag:s4] =	ssyncset.s32 $0xFFFFF086  }
0x25: {  	[simem:s6], [sflag:s4] =	dma.local [hbm:s3], $0xF7A  }
0x26: {  	[smem:$0x3F9C] =	sst s1;
	(tag) =	ssettag s2;
	_ =	strace s9  }
0x27: {  	s1 =	sld [smem:$0x3FAC]  }
0x28: {  	s2 =	sld [smem:$0x3FAD]  }
0x29: {  	s4 =	sld [smem:$0x3FAF]  }
0x2a: {  	p0 =	seq.s32 s5, $0x0;
	s5 =	sld [smem:$0x3FB0]  }
0x2b: {  	s6 =	sld [smem:$0x3FB1]  }
0x2c: {  	s7 =	sld [smem:$0x3FB2]  }
0x2d: {  	s3 =	simm.s32 $0x108;
	s8 =	sld [smem:$0x3FB3]  }
0x2e: {  	s3 =	simm.s32 @!p0 $0x1082;
	s9 =	sld [smem:$0x3FB4]  }
0x2f: {  	lr =	sadd.s32 s0, s3;
	s0 =	sld [smem:$0x3FAB]  }
0x30: {  	s3 =	sld [smem:$0x3FAE]  }
0x31: {  	[smem:$0x3FB7] =	sst s10  }
0x32: {  	s10 =	sld [smem:$0x3FB5];
	_ =	sdelay $0x3  }
0x33: {  	p0 =	seq.s32 s10, $0x1;
	s10 =	sld [smem:$0x3FB7];
	_ =	sdelay $0x3  }
0x34: {  	[smem:$0x3FB7] =	sst s10  }
0x35: {  	s10 =	sld [smem:$0x3FB6];
	_ =	sdelay $0x3  }
0x36: {  	p1 =	seq.s32 s10, $0x1;
	s10 =	sld [smem:$0x3FB7];
	_ =	sdelay $0x3  }
0x37: {  	[smem:$0x3FB7] =	sst s10  }
0x38: {  	s10 =	sld [smem:$0x3FB8]  }
0x39: {  	_ = 	snop;
	(pc) =	sbr.ind lr, $3  }
0x3a: {  	_ = 	snop  }
0x3b: {  	_ = 	snop  }
0x3c: {  	p2 =	seq.s32 s10, $0x1;
	s10 =	sld [smem:$0x3FB7]  }
0x3d: {  	_ =	shalt  }
0x3e: {  	_ =	shalt  }
0x3f: {  	_ =	shalt  }
0x40: {  	_ =	shalt  }
0x41: {  	_ =	shalt  }
0x42: {  	_ =	shalt  }
0x43: {  	_ =	shalt  }
0x44: {  	_ =	shalt  }
0x45: {  	_ =	shalt  }
0x46: {  	_ =	shalt  }
0x47: {  	_ =	shalt  }
0x48: {  	_ =	shalt  }
0x49: {  	_ =	shalt  }
0x4a: {  	_ =	shalt  }
0x4b: {  	_ =	shalt  }
0x4c: {  	_ =	shalt  }
0x4d: {  	_ =	shalt  }
0x4e: {  	_ =	shalt  }
0x4f: {  	_ =	shalt  }
0x50: {  	_ =	shalt  }
0x51: {  	_ =	shalt  }
0x52: {  	_ =	shalt  }
0x53: {  	_ =	shalt  }
0x54: {  	_ =	shalt  }
0x55: {  	_ =	shalt  }
0x56: {  	_ =	shalt  }
0x57: {  	_ =	shalt  }
0x58: {  	_ =	shalt  }
0x59: {  	_ =	shalt  }
0x5a: {  	_ =	shalt  }
0x5b: {  	_ =	shalt  }
0x5c: {  	_ =	shalt  }
0x5d: {  	_ =	shalt  }
0x5e: {  	_ =	shalt  }
0x5f: {  	_ =	shalt  }
0x60: {  	_ =	shalt  }
0x61: {  	_ =	shalt  }
0x62: {  	_ =	shalt  }
0x63: {  	_ =	shalt  }
0x64: {  	_ =	shalt  }
0x65: {  	_ =	shalt  }
0x66: {  	_ =	shalt  }
0x67: {  	_ =	shalt  }
0x68: {  	_ =	shalt  }
0x69: {  	_ =	shalt  }
0x6a: {  	_ =	shalt  }
0x6b: {  	_ =	shalt  }
0x6c: {  	_ =	shalt  }
0x6d: {  	_ =	shalt  }
0x6e: {  	_ =	shalt  }
0x6f: {  	_ =	shalt  }
0x70: {  	_ =	shalt  }
0x71: {  	_ =	shalt  }
0x72: {  	_ =	shalt  }
0x73: {  	_ =	shalt  }
0x74: {  	_ =	shalt  }
0x75: {  	_ =	shalt  }
0x76: {  	_ =	shalt  }
0x77: {  	_ =	shalt  }
0x78: {  	_ =	shalt  }
0x79: {  	_ =	shalt  }
0x7a: {  	_ =	shalt  }
0x7b: {  	_ =	shalt  }
0x7c: {  	_ =	shalt  }
0x7d: {  	_ =	shalt  }
0x7e: {  	_ =	shalt  }
0x7f: {  	_ =	shalt  }
0x80: {  	_ =	shalt  }
0x81: {  	_ =	shalt  }
0x82: {  	_ =	shalt  }
0x83: {  	_ =	shalt  }
0x84: {  	_ =	shalt  }
0x85: {  	_ =	shalt  }
0x86: {  	_ =	shalt  }
0x87: {  	_ =	shalt  }
.Lfunc_end0:
.L_simem_size_0:
called_computation_lowered:
.L_overlay_start_0:
0x88: {  	s2 =	sld [smem:$0x3FD9]  }
0x89: {  	s3 =	sld [smem:$0x3FFE];
	_ =	sdelay $0x1  }
0x8a: {  	s1 =	srdreg.scid  }
0x8b: {  	s0 =	sand.u32 $0x1, s1  }
0x8c: {  	s17 =	sshll.u32 s0, $0xA;
	s2 =	sadd.s32 s3, s2  }
0x8d: {  	s2 =	sadd.s32 s2, s17  }
0x8e: {  	[smem:$0x3FC3] =	sst s2  }
0x8f: {  	_ = 	snop  }
0x90: {  	s2 =	sld [smem:$0x3FD0];
	(tm) =	ssettm $0x1  }
0x91: {  	s18 =	sld [smem:$0x3FFB];
	_ =	sdelay $0x3  }
0x92: {  	_ =	strace s18  }
0x93: {  	s3 =	sld [smem:$0x3FFC];
	_ =	sdelay $0x3  }
0x94: {  	_ =	strace s3  }
0x95: {  	s3 =	sld [smem:$0x3FFD];
	_ =	sdelay $0x3  }
0x96: {  	_ =	strace s3  }
0x97: {  	_ =	strace $0x8FFFFFFF  }
0x98: {  	s19 =	sld [smem:$0x3FDB];
	_ =	sdelay $0x1  }
0x99: {  	s4 =	simm.s32 $_scs_section_size  }
0x9a: {  	s5 =	simm.s32 $_size__tile_overlayer_lowered;
	s6 =	simm.s32 $_tile_overlayer_lowered  }
0x9b: {  	s22 =	simm.s32 $0x1BFF;
	s21 =	sshll.u32 s6, $0x1;
	s3 =	sadd.s32 s4, s19  }
0x9c: {  	s7 =	simm.s32 $0x0;
	s20 =	sshll.u32 s5, $0x1;
	s5 =	sadd.s32 s21, s3  }
0x9d: {  	[timem:s7], [sflag:s22] =	dma.local [hbm:s5], s20  }
0x9e: {  	_ =	swait.ge [sflag:s22], s20  }
0x9f: {  	s4 =	ssub.s32 $0x0, s20;
	[sflag:s22] =	ssyncset.done $0x0  }
0xa0: {  	[sflag:s22] =	ssyncadd.s32 s4;
	_ =	sdelay $0x1  }
0xa1: {  	s23 =	simm.s32 $0x1B8B  }
0xa2: {  	_ =	swait.ge [sflag:s23], $0x1  }
0xa3: {  	[sflag:s23] =	ssyncset.done $0x0  }
0xa4: {  	s25 =	simm.s32 $0x1B8E;
	s24 =	sld [smem:$0x3FFE];
	[sflag:s23] =	ssyncadd.s32 $0xFFFFFFFF  }
0xa5: {  	s26 =	simm.s32 $execute0_lowered;
	[smem:$0x3FD2] =	sst s25  }
0xa6: {  	s5 =	sshll.u32 s26, $0x1;
	_ =	strace $0x80000046;
	[dreg:$0x1] =	wrdreg $0xFFFFFFFF  }
0xa7: {  	s28 =	simm.s32 $_size_execute0_lowered;
	s3 =	sadd.s32 s3, s5;
	[dreg:$0x0] =	wrdreg $0x0  }
0xa8: {  	s5 =	sshll.u32 s28, $0x1;
	[dreg:$0x2] =	wrdreg s3  }
0xa9: {  	[dreg:$0x3] =	wrdreg s5  }
0xaa: {  	[dreg:$0x4] =	wrdreg $0xC0  }
0xab: {  	_ =	task [dreg:s7], $0x5FFFF  }
0xac: {  	[dreg:$0x1] =	wrdreg $0xFFFFFFFF  }
0xad: {  	[dreg:$0x0] =	wrdreg $0x60  }
0xae: {  	[dreg:$0x2] =	wrdreg s24  }
0xaf: {  	[dreg:$0x3] =	wrdreg s2  }
0xb0: {  	[dreg:$0x4] =	wrdreg $0x9  }
0xb1: {  	_ =	task.clear_ibuf [dreg:s7], $0x5FFFF;
	_ =	strace $0x90000046  }
0xb2: {  	s29 =	simm.s32 $0x9;
	_ =	strace $0x80000048  }
0xb3: {  	_ =	swait.ge [sflag:s29], $0x1  }
0xb4: {  	[sflag:s29] =	ssyncadd.s32 $0xFFFFFFFF  }
0xb5: {  	_ =	strace $0x90000048  }
0xb6: {  	_ =	sfence  }
0xb7: {  	s30 =	sld [smem:$0x0];
	_ =	sdelay $0x2  }
0xb8: {  	s31 =	sshll.u32 s1, $0xD;
	s1 =	sshrl.u32 s1, $0x2  }
0xb9: {  	s3 =	sand.u32 $0x4000, s31;
	s1 =	sadd.s32 s1, s30  }
0xba: {  	s0 =	sor.u32 s3, s0;
	s1 =	sshll.u32 s1, $0x11  }
0xbb: {  	s0 =	sor.u32 s1, s0  }
0xbc: {  	s0 =	sadd.s32 $0x8F2B, s0  }
0xbd: {  	[sflag:s0] =	ssyncadd.remote.s32 $0x1  }
0xbe: {  	_ =	sfence.sel $0xFFFF  }
0xbf: {  	[dreg:$0x0] =	wrdreg $0xFFFFFFFF;
	(pc) =	sbr.abs _section_cstart, $3  }
0xc0: {  	[dreg:$0x1] =	wrdreg $0xFFFFFFFF  }
0xc1: {  	_ =	task.clear_ibuf [dreg:s7], $0x2FFFF;
	_ =	strace $0x9FFFFFFF  }
0xc2: {  	(tm) =	ssettm $0x7FFFFFFF  }
0xc3: {  	_ =	shalt  }
tec
execute0_lowered:
.L_overlay_start_1:
0x0: {  	(tag) =	ssettag $0x1  }
0x1: {  	v1 =	vlaneseq.u32  }
0x2: {  	v0 =	vmul.u32 $0x3, v1;
	_ =	sdelay $0x1  }
0x3: {  	v21 =	vmul.u32 $0x10, v1;
	v2 =	vadd.s32 $0x1, v0;
	v14 =	vadd.s32 $0xC2, v0  }
0x4: {  	v15 =	vadd.s32 $0xF0, v0;
	v16 =	vadd.s32 $0xF1, v0;
	v17 =	vadd.s32 $0xF2, v0  }
0x5: {  	v18 =	vadd.s32 $0x120, v0;
	v19 =	vadd.s32 $0x121, v0;
	v20 =	vadd.s32 $0x122, v0  }
0x6: {  	v22 =	vadd.s32 $0x150, v0;
	v23 =	vadd.s32 $0x151, v0;
	v24 =	vadd.s32 $0x152, v0  }
0x7: {  	v25 =	vor.u32 $0x1, v21;
	v26 =	vor.u32 $0x2, v21;
	v27 =	vor.u32 $0x3, v21  }
0x8: {  	v28 =	vor.u32 $0x4, v21;
	v29 =	vor.u32 $0x5, v21;
	v30 =	vor.u32 $0x6, v21  }
0x9: {  	s0 =	rddreg [dreg:$0x0];
	v31 =	vor.u32 $0x7, v21;
	v32 =	vor.u32 $0x8, v21;
	v33 =	vor.u32 $0x9, v21  }
0xa: {  	s1 =	rddreg [dreg:$0x1];
	s3 =	srdreg.scid;
	s12 =	simm.s32 $0x180;
	v34 =	vor.u32 $0xA, v21;
	v35 =	vor.u32 $0xB, v21;
	[tilespmem:$0x1FF30] =	vst v2;
	v2 =	vadd.s32 $0x2, v0  }
0xb: {  	s4 =	stileid.u32;
	s13 =	simm.s32 $0x300;
	s14 =	simm.s32 $0x1300;
	v36 =	vor.u32 $0xC, v21;
	v37 =	vor.u32 $0xD, v21;
	[tilespmem:$0x1FF40] =	vst v2;
	v2 =	vadd.s32 $0x30, v0  }
0xc: {  	s2 =	simm.s32 $0x0;
	s15 =	simm.s32 $0x200;
	s16 =	simm.s32 $0x2300;
	v38 =	vor.u32 $0xE, v21;
	v39 =	vor.u32 $0xF, v21;
	[tilespmem:$0x1FF50] =	vst v2;
	v2 =	vadd.s32 $0x31, v0  }
0xd: {  	s11 =	simm.s32 $0x80;
	s17 =	simm.s32 $0x3300;
	s18 =	simm.s32 $0x280;
	v40 =	vor.u32 $0x100, v21;
	v41 =	vor.u32 $0x101, v21;
	[tilespmem:$0x1FF60] =	vst v2;
	v2 =	vadd.s32 $0x32, v0  }
0xe: {  	s19 =	simm.s32 $0x4300;
	s20 =	simm.s32 $0x5300;
	s21 =	simm.s32 $0x1;
	v42 =	vor.u32 $0x102, v21;
	v43 =	vor.u32 $0x103, v21;
	[tilespmem:$0x1FF70] =	vst v2;
	v2 =	vadd.s32 $0x60, v0  }
0xf: {  	s22 =	simm.s32 $0x2;
	s23 =	simm.s32 $0x3;
	s24 =	simm.s32 $0x4;
	v44 =	vor.u32 $0x104, v21;
	v45 =	vor.u32 $0x105, v21;
	[tilespmem:$0x1FF80] =	vst v2;
	v2 =	vadd.s32 $0x61, v0  }
0x10: {  	s25 =	simm.s32 $0x5;
	s28 =	simm.s32 $0x6300;
	s29 =	simm.s32 $0x6B00;
	v46 =	vor.u32 $0x106, v21;
	v47 =	vor.u32 $0x107, v21;
	[tilespmem:$0x1FF90] =	vst v2;
	v2 =	vadd.s32 $0x62, v0  }
0x11: {  	s6 =	sand.u32 $0x1, s3;
	s26 =	sshll.u32 s4, $0x1;
	[smem:$0x7FF] =	sst s2;
	v48 =	vor.u32 $0x108, v21;
	v49 =	vor.u32 $0x109, v21;
	[tilespmem:$0x1FFA0] =	vst v2;
	v2 =	vadd.s32 $0x90, v0  }
0x12: {  	s30 =	simm.s32 $0x0;
	s3 =	sadd.s32 $0x1AB4800, s0;
	s7 =	sor.u32 s6, s26;
	v50 =	vor.u32 $0x10A, v21;
	v51 =	vor.u32 $0x10B, v21;
	[tilespmem:$0x1FFB0] =	vst v2;
	v2 =	vadd.s32 $0x91, v0  }
0x13: {  	s4 =	sadd.s32 $0x16E3E00, s0;
	s9 =	ssub.s32 $0x2, s6;
	s5 =	smul.u32 $0x30, s7;
	v52 =	vor.u32 $0x10C, v21;
	v53 =	vor.u32 $0x10D, v21;
	[tilespmem:$0x1FFC0] =	vst v2;
	v2 =	vadd.s32 $0x92, v0  }
0x14: {  	s6 =	sadd.s32 $0xF42A00, s0;
	s26 =	simm.s32 $0x6;
	s31 =	sshrl.u32 s9, $0x1;
	v54 =	vor.u32 $0x10E, v21;
	v55 =	vor.u32 $0x10F, v21;
	[tilespmem:$0x1FFD0] =	vst v2;
	v2 =	vor.u32 $0xC0, v0  }
0x15: {  	s10 =	sshll.u32 s7, $0x4;
	v56 =	vor.u32 $0x200, v21;
	v57 =	vor.u32 $0x201, v21;
	s8 =	sadd.s32 s5, s0;
	s5 =	sadd.s32 $0x1313400, s0;
	[tilespmem:$0x1FFE0] =	vst v2;
	v2 =	vadd.s32 $0xC1, v0  }
0x16: {  	v58 =	vor.u32 $0x202, v21;
	v59 =	vor.u32 $0x203, v21;
	v60 =	vor.u32 $0x204, v21;
	s0 =	ssub.s32 s9, s31;
	s7 =	sadd.s32 $0x600, s8;
	s8 =	sadd.s32 s1, s10;
	[tilespmem:$0x1FFF0] =	vst v2  }
0x17: {  	v61 =	vor.u32 $0x205, v21;
	v62 =	vor.u32 $0x206, v21;
	v63 =	vor.u32 $0x207, v21;
	s9 =	smax.u32 s0, $0x1;
	s10 =	simm.s32 $0x7;
	_ =	strace $0x80000047  }
.LBB2_1:
0x18: {  	[tilespmem:s2], [sflag:$0x7] =	stream.linear.gather [hbm4b:s7+s2], $0x180, $0x38;
	[tilespmem:$0x6B80] =	vst v63  }
0x19: {  	_ =	swait.ge [sflag:s10], $0x180  }
0x1a: {  	[sflag:s10] =	ssyncset.done $0x0  }
0x1b: {  	[sflag:s10] =	ssyncadd.s32 $0xFFFFFE80  }
0x1c: {  	v1 =	vld.idx.msk [tilespmem:v0+s2+$0x0], $0xffff;
	_ =	sdelay $0x4  }
0x1d: {  	[tilespmem:$0x180] =	vst v1;
	v1 =	vld [tilespmem:$0x1FF30];
	_ =	sdelay $0x7  }
0x1e: {  	v1 =	vld.idx.msk [tilespmem:v1+s2+$0x0], $0xffff;
	_ =	sdelay $0x4  }
0x1f: {  	[tilespmem:$0x200] =	vst v1;
	v1 =	vld [tilespmem:$0x1FF40];
	_ =	sdelay $0x7  }
0x20: {  	v1 =	vld.idx.msk [tilespmem:v1+s2+$0x0], $0xffff;
	_ =	sdelay $0x4  }
0x21: {  	[tilespmem:$0x280] =	vst v1;
	v1 =	vld [tilespmem:$0x1FF50];
	_ =	sdelay $0x7  }
0x22: {  	v1 =	vld.idx.msk [tilespmem:v1+s2+$0x0], $0xffff;
	_ =	sdelay $0x4  }
0x23: {  	[tilespmem:$0x190] =	vst v1;
	v1 =	vld [tilespmem:$0x1FF60];
	_ =	sdelay $0x7  }
0x24: {  	v1 =	vld.idx.msk [tilespmem:v1+s2+$0x0], $0xffff;
	_ =	sdelay $0x4  }
0x25: {  	[tilespmem:$0x210] =	vst v1;
	v1 =	vld [tilespmem:$0x1FF70];
	_ =	sdelay $0x7  }
0x26: {  	v1 =	vld.idx.msk [tilespmem:v1+s2+$0x0], $0xffff;
	_ =	sdelay $0x4  }
0x27: {  	[tilespmem:$0x290] =	vst v1;
	v1 =	vld [tilespmem:$0x1FF80];
	_ =	sdelay $0x7  }
0x28: {  	v1 =	vld.idx.msk [tilespmem:v1+s2+$0x0], $0xffff;
	_ =	sdelay $0x4  }
0x29: {  	[tilespmem:$0x1A0] =	vst v1;
	v1 =	vld [tilespmem:$0x1FF90];
	_ =	sdelay $0x7  }
0x2a: {  	v1 =	vld.idx.msk [tilespmem:v1+s2+$0x0], $0xffff;
	_ =	sdelay $0x4  }
0x2b: {  	[tilespmem:$0x220] =	vst v1;
	v1 =	vld [tilespmem:$0x1FFA0];
	_ =	sdelay $0x7  }
0x2c: {  	v1 =	vld.idx.msk [tilespmem:v1+s2+$0x0], $0xffff;
	_ =	sdelay $0x4  }
0x2d: {  	[tilespmem:$0x2A0] =	vst v1;
	v1 =	vld [tilespmem:$0x1FFB0];
	_ =	sdelay $0x7  }
0x2e: {  	v1 =	vld.idx.msk [tilespmem:v1+s2+$0x0], $0xffff;
	_ =	sdelay $0x4  }
0x2f: {  	[tilespmem:$0x1B0] =	vst v1;
	v1 =	vld [tilespmem:$0x1FFC0];
	_ =	sdelay $0x7  }
0x30: {  	v1 =	vld.idx.msk [tilespmem:v1+s2+$0x0], $0xffff;
	_ =	sdelay $0x4  }
0x31: {  	[tilespmem:$0x230] =	vst v1;
	v1 =	vld [tilespmem:$0x1FFD0];
	_ =	sdelay $0x7  }
0x32: {  	v1 =	vld.idx.msk [tilespmem:v1+s2+$0x0], $0xffff;
	_ =	sdelay $0x4  }
0x33: {  	[tilespmem:$0x2B0] =	vst v1;
	v1 =	vld [tilespmem:$0x1FFE0];
	_ =	sdelay $0x7  }
0x34: {  	v1 =	vld.idx.msk [tilespmem:v1+s2+$0x0], $0xffff;
	_ =	sdelay $0x4  }
0x35: {  	[tilespmem:$0x1C0] =	vst v1;
	v1 =	vld [tilespmem:$0x1FFF0];
	_ =	sdelay $0x7  }
0x36: {  	v1 =	vld.idx.msk [tilespmem:v1+s2+$0x0], $0xffff;
	_ =	sdelay $0x4  }
0x37: {  	[tilespmem:$0x240] =	vst v1  }
0x38: {  	v1 =	vld.idx.msk [tilespmem:v14+s2+$0x0], $0xffff;
	_ =	sdelay $0x4  }
0x39: {  	[tilespmem:$0x2C0] =	vst v1  }
0x3a: {  	v1 =	vld.idx.msk [tilespmem:v15+s2+$0x0], $0xffff;
	_ =	sdelay $0x4  }
0x3b: {  	[tilespmem:$0x1D0] =	vst v1  }
0x3c: {  	v1 =	vld.idx.msk [tilespmem:v16+s2+$0x0], $0xffff;
	_ =	sdelay $0x4  }
0x3d: {  	[tilespmem:$0x250] =	vst v1  }
0x3e: {  	v1 =	vld.idx.msk [tilespmem:v17+s2+$0x0], $0xffff;
	_ =	sdelay $0x4  }
0x3f: {  	[tilespmem:$0x2D0] =	vst v1  }
0x40: {  	v1 =	vld.idx.msk [tilespmem:v18+s2+$0x0], $0xffff;
	_ =	sdelay $0x4  }
0x41: {  	[tilespmem:$0x1E0] =	vst v1  }
0x42: {  	v1 =	vld.idx.msk [tilespmem:v19+s2+$0x0], $0xffff;
	_ =	sdelay $0x4  }
0x43: {  	[tilespmem:$0x260] =	vst v1  }
0x44: {  	v1 =	vld.idx.msk [tilespmem:v20+s2+$0x0], $0xffff;
	_ =	sdelay $0x4  }
0x45: {  	[tilespmem:$0x2E0] =	vst v1  }
0x46: {  	v1 =	vld.idx.msk [tilespmem:v22+s2+$0x0], $0xffff;
	_ =	sdelay $0x4  }
0x47: {  	[tilespmem:$0x1F0] =	vst v1  }
0x48: {  	v1 =	vld.idx.msk [tilespmem:v23+s2+$0x0], $0xffff;
	_ =	sdelay $0x4  }
0x49: {  	[tilespmem:$0x270] =	vst v1  }
0x4a: {  	v1 =	vld.idx.msk [tilespmem:v24+s2+$0x0], $0xffff;
	_ =	sdelay $0x4  }
0x4b: {  	[tilespmem:$0x2F0] =	vst v1  }
0x4c: {  	[tilespmem:s13], [sflag:$0x1] =	stream.indirect.gather [hbm4b:s3+s11], $0x20, s12, s11, $0xb8;
	[tilespmem:$0x6B80] =	vst v63  }
0x4d: {  	_ = 	snop  }
0x4e: {  	[tilespmem:s14], [sflag:$0x2] =	stream.indirect.gather [hbm4b:s4+s11], $0x20, s12, s11, $0xb8;
	[tilespmem:$0x6B80] =	vst v63  }
0x4f: {  	_ = 	snop  }
0x50: {  	[tilespmem:s16], [sflag:$0x3] =	stream.indirect.gather [hbm4b:s5+s11], $0x20, s15, s11, $0xb8;
	[tilespmem:$0x6B80] =	vst v63  }
0x51: {  	_ = 	snop  }
0x52: {  	[tilespmem:s17], [sflag:$0x4] =	stream.indirect.gather [hbm4b:s6+s11], $0x20, s15, s11, $0xb8;
	[tilespmem:$0x6B80] =	vst v63  }
0x53: {  	_ = 	snop  }
0x54: {  	[tilespmem:s19], [sflag:$0x5] =	stream.indirect.gather [hbm4b:s3+s11], $0x20, s18, s11, $0xb8;
	[tilespmem:$0x6B80] =	vst v63  }
0x55: {  	_ = 	snop  }
0x56: {  	[tilespmem:s20], [sflag:$0x6] =	stream.indirect.gather [hbm4b:s4+s11], $0x20, s18, s11, $0xb8;
	[tilespmem:$0x6B80] =	vst v63  }
0x57: {  	_ =	swait.ge [sflag:s21], $0x1000  }
0x58: {  	[sflag:s21] =	ssyncset.done $0x0  }
0x59: {  	[sflag:s21] =	ssyncadd.s32 $0xFFFFF000  }
0x5a: {  	_ =	swait.ge [sflag:s22], $0x1000  }
0x5b: {  	[sflag:s22] =	ssyncset.done $0x0  }
0x5c: {  	[sflag:s22] =	ssyncadd.s32 $0xFFFFF000  }
0x5d: {  	_ =	swait.ge [sflag:s23], $0x1000  }
0x5e: {  	[sflag:s23] =	ssyncset.done $0x0  }
0x5f: {  	[sflag:s23] =	ssyncadd.s32 $0xFFFFF000  }
0x60: {  	_ =	swait.ge [sflag:s24], $0x1000  }
0x61: {  	[sflag:s24] =	ssyncset.done $0x0  }
0x62: {  	[sflag:s24] =	ssyncadd.s32 $0xFFFFF000  }
0x63: {  	_ =	swait.ge [sflag:s25], $0x1000  }
0x64: {  	[sflag:s25] =	ssyncset.done $0x0  }
0x65: {  	[sflag:s25] =	ssyncadd.s32 $0xFFFFF000  }
0x66: {  	_ =	swait.ge [sflag:s26], $0x1000  }
0x67: {  	[sflag:s26] =	ssyncset.done $0x0  }
0x68: {  	s0 =	simm.s32 $0x0;
	[sflag:s26] =	ssyncadd.s32 $0xFFFFF000  }
0x69: {  	v1 =	vld [tilespmem:s0+$0x2300]  }
0x6a: {  	v2 =	vld [tilespmem:s0+$0x300]  }
0x6b: {  	v3 =	vld [tilespmem:s0+$0x3300]  }
0x6c: {  	v4 =	vld [tilespmem:s0+$0x1300]  }
0x6d: {  	v5 =	vld [tilespmem:s0+$0x2310]  }
0x6e: {  	v6 =	vld [tilespmem:s0+$0x310]  }
0x6f: {  	v7 =	vld [tilespmem:s0+$0x3310]  }
0x70: {  	v8 =	vld [tilespmem:s0+$0x1310]  }
0x71: {  	v9 =	vld [tilespmem:s0+$0x4300]  }
0x72: {  	v10 =	vld [tilespmem:s0+$0x5300];
	v11 =	vmul.f32 v1, v2;
	v2 =	vmul.f32 v3, v2  }
0x73: {  	v12 =	vld [tilespmem:s0+$0x4310];
	v3 =	vmul.f32 v3, v4;
	v1 =	vmul.f32 v1, v4  }
0x74: {  	v4 =	vld [tilespmem:s0+$0x5310];
	v13 =	vmul.f32 v5, v6;
	v6 =	vmul.f32 v7, v6  }
0x75: {  	v7 =	vmul.f32 v7, v8;
	v5 =	vmul.f32 v5, v8  }
0x76: {  	v3 =	vsub.f32 v11, v3;
	v1 =	vadd.f32 v2, v1  }
0x77: {  	v2 =	vsub.f32 v13, v7;
	v5 =	vadd.f32 v6, v5  }
0x78: {  	v3 =	vmul.f32 v9, v3;
	v1 =	vmul.f32 v10, v1  }
0x79: {  	v2 =	vmul.f32 v12, v2;
	v4 =	vmul.f32 v4, v5;
	_ =	sdelay $0x1  }
0x7a: {  	v1 =	vadd.f32 v1, v3;
	v2 =	vadd.f32 v4, v2;
	_ =	sdelay $0x1  }
0x7b: {  	v1 =	vadd.f32 v2, v1;
	_ =	sdelay $0x1  }
0x7c: {  	s1 =	simm.s32 $0x20;
	[tilespmem:s28+$0x0] =	vst v1  }
0x7d: {  	v1 =	vld [tilespmem:s1+$0x2300]  }
0x7e: {  	v7 =	vld [tilespmem:s1+$0x300]  }
0x7f: {  	v3 =	vld [tilespmem:s1+$0x3300]  }
0x80: {  	v6 =	vld [tilespmem:s1+$0x1300]  }
0x81: {  	v2 =	vld [tilespmem:s1+$0x2310]  }
0x82: {  	v4 =	vld [tilespmem:s1+$0x310]  }
0x83: {  	s31 =	simm.s32 $0x6300;
	s0 =	simm.s32 $0x100;
	v5 =	vld [tilespmem:s1+$0x3310]  }
.LBB2_2:
0x84: {  	p0 =	sne.s32 s0, $0x3F80;
	v8 =	vld [tilespmem:s1+$0x1310]  }
0x85: {  	v9 =	vld [tilespmem:s1+$0x4300]  }
0x86: {  	v11 =	vmul.f32 v1, v7;
	v7 =	vmul.f32 v3, v7;
	v10 =	vld [tilespmem:s1+$0x5300]  }
0x87: {  	v3 =	vmul.f32 v3, v6;
	v1 =	vmul.f32 v1, v6;
	v12 =	vld [tilespmem:s1+$0x4310]  }
0x88: {  	v13 =	vmul.f32 v2, v4;
	v6 =	vld [tilespmem:s1+$0x5310];
	v4 =	vmul.f32 v5, v4  }
0x89: {  	v5 =	vmul.f32 v5, v8;
	v2 =	vmul.f32 v2, v8  }
0x8a: {  	v3 =	vsub.f32 v11, v3;
	v1 =	vadd.f32 v7, v1  }
0x8b: {  	v5 =	vsub.f32 v13, v5;
	v2 =	vadd.f32 v4, v2  }
0x8c: {  	v3 =	vmul.f32 v9, v3;
	v1 =	vmul.f32 v10, v1  }
0x8d: {  	v4 =	vmul.f32 v12, v5;
	v2 =	vmul.f32 v6, v2;
	_ =	sdelay $0x1  }
0x8e: {  	v1 =	vadd.f32 v1, v3;
	v2 =	vadd.f32 v2, v4;
	_ =	sdelay $0x1  }
0x8f: {  	v1 =	vadd.f32 v2, v1  }
0x90: {  	s31 =	sadd.s32 $0x10, s31  }
0x91: {  	s1 =	sshra.s32 s0, $0x2;
	[tilespmem:s31+$0x0] =	vst v1  }
0x92: {  	v1 =	vld [tilespmem:s1+$0x2300]  }
0x93: {  	v7 =	vld [tilespmem:s1+$0x300]  }
.Ltmp0:
0x94: {  	v3 =	vld [tilespmem:s1+$0x3300];
	(pc) =	sbr.rel @p0 .LBB2_2-.Ltmp0, $4  }
0x95: {  	v6 =	vld [tilespmem:s1+$0x1300]  }
0x96: {  	v2 =	vld [tilespmem:s1+$0x2310]  }
0x97: {  	v4 =	vld [tilespmem:s1+$0x310]  }
0x98: {  	s0 =	sadd.s32 $0x80, s0;
	v5 =	vld [tilespmem:s1+$0x3310]  }
0x99: {  	v8 =	vld [tilespmem:s1+$0x1310]  }
0x9a: {  	v9 =	vld [tilespmem:s1+$0x4300]  }
0x9b: {  	v10 =	vld [tilespmem:s1+$0x5300];
	v11 =	vmul.f32 v1, v7;
	v7 =	vmul.f32 v3, v7  }
0x9c: {  	v12 =	vld [tilespmem:s1+$0x4310];
	v3 =	vmul.f32 v3, v6;
	v1 =	vmul.f32 v1, v6  }
0x9d: {  	v6 =	vld [tilespmem:s1+$0x5310];
	v13 =	vmul.f32 v2, v4;
	v4 =	vmul.f32 v5, v4  }
0x9e: {  	v5 =	vmul.f32 v5, v8;
	v2 =	vmul.f32 v2, v8  }
0x9f: {  	v3 =	vsub.f32 v11, v3;
	v1 =	vadd.f32 v7, v1  }
0xa0: {  	v5 =	vsub.f32 v13, v5;
	v2 =	vadd.f32 v4, v2  }
0xa1: {  	v3 =	vmul.f32 v9, v3;
	v1 =	vmul.f32 v10, v1  }
0xa2: {  	v9 =	vmul.f32 v12, v5;
	v2 =	vmul.f32 v6, v2;
	_ =	sdelay $0x1  }
0xa3: {  	v1 =	vadd.f32 v1, v3;
	v2 =	vadd.f32 v2, v9;
	_ =	sdelay $0x1  }
0xa4: {  	v1 =	vadd.f32 v2, v1  }
0xa5: {  	s0 =	sadd.s32 $0x10, s31  }
0xa6: {  	[tilespmem:s0+$0x0] =	vst v1  }
0xa7: {  	v1 =	vld.idx.msk [tilespmem:v21+s28+$0x0], $0xffff  }
0xa8: {  	v2 =	vld.idx.msk [tilespmem:v25+s28+$0x0], $0xffff;
	_ =	sdelay $0x1  }
0xa9: {  	v3 =	vld.idx.msk [tilespmem:v26+s28+$0x0], $0xffff;
	_ =	sdelay $0x1  }
0xaa: {  	v10 =	vld.idx.msk [tilespmem:v27+s28+$0x0], $0xffff  }
0xab: {  	v1 =	vadd.f32 v2, v1  }
0xac: {  	v2 =	vld.idx.msk [tilespmem:v28+s28+$0x0], $0xffff  }
0xad: {  	v1 =	vadd.f32 v3, v1  }
0xae: {  	v3 =	vld.idx.msk [tilespmem:v29+s28+$0x0], $0xffff  }
0xaf: {  	v1 =	vadd.f32 v10, v1  }
0xb0: {  	v11 =	vld.idx.msk [tilespmem:v30+s28+$0x0], $0xffff  }
0xb1: {  	v1 =	vadd.f32 v2, v1  }
0xb2: {  	v2 =	vld.idx.msk [tilespmem:v31+s28+$0x0], $0xffff  }
0xb3: {  	v1 =	vadd.f32 v3, v1  }
0xb4: {  	v3 =	vld.idx.msk [tilespmem:v32+s28+$0x0], $0xffff  }
0xb5: {  	v1 =	vadd.f32 v11, v1  }
0xb6: {  	v8 =	vld.idx.msk [tilespmem:v33+s28+$0x0], $0xffff  }
0xb7: {  	v1 =	vadd.f32 v2, v1  }
0xb8: {  	v2 =	vld.idx.msk [tilespmem:v34+s28+$0x0], $0xffff  }
0xb9: {  	v1 =	vadd.f32 v3, v1  }
0xba: {  	v3 =	vld.idx.msk [tilespmem:v35+s28+$0x0], $0xffff  }
0xbb: {  	v1 =	vadd.f32 v8, v1  }
0xbc: {  	v9 =	vld.idx.msk [tilespmem:v36+s28+$0x0], $0xffff  }
0xbd: {  	v1 =	vadd.f32 v2, v1  }
0xbe: {  	v2 =	vld.idx.msk [tilespmem:v37+s28+$0x0], $0xffff  }
0xbf: {  	v1 =	vadd.f32 v3, v1  }
0xc0: {  	v3 =	vld.idx.msk [tilespmem:v38+s28+$0x0], $0xffff  }
0xc1: {  	v1 =	vadd.f32 v9, v1  }
0xc2: {  	v10 =	vld.idx.msk [tilespmem:v39+s28+$0x0], $0xffff  }
0xc3: {  	v1 =	vadd.f32 v2, v1;
	_ =	sdelay $0x1  }
0xc4: {  	v1 =	vadd.f32 v3, v1;
	_ =	sdelay $0x1  }
0xc5: {  	v1 =	vadd.f32 v10, v1;
	_ =	sdelay $0x1  }
0xc6: {  	[tilespmem:$0x6B00] =	vst v1  }
0xc7: {  	v1 =	vld.idx.msk [tilespmem:v40+s28+$0x0], $0xffff  }
0xc8: {  	v2 =	vld.idx.msk [tilespmem:v41+s28+$0x0], $0xffff;
	_ =	sdelay $0x1  }
0xc9: {  	v3 =	vld.idx.msk [tilespmem:v42+s28+$0x0], $0xffff;
	_ =	sdelay $0x1  }
0xca: {  	v11 =	vld.idx.msk [tilespmem:v43+s28+$0x0], $0xffff  }
0xcb: {  	v1 =	vadd.f32 v2, v1  }
0xcc: {  	v2 =	vld.idx.msk [tilespmem:v44+s28+$0x0], $0xffff  }
0xcd: {  	v1 =	vadd.f32 v3, v1  }
0xce: {  	v3 =	vld.idx.msk [tilespmem:v45+s28+$0x0], $0xffff  }
0xcf: {  	v1 =	vadd.f32 v11, v1  }
0xd0: {  	v8 =	vld.idx.msk [tilespmem:v46+s28+$0x0], $0xffff  }
0xd1: {  	v1 =	vadd.f32 v2, v1  }
0xd2: {  	v2 =	vld.idx.msk [tilespmem:v47+s28+$0x0], $0xffff  }
0xd3: {  	v1 =	vadd.f32 v3, v1  }
0xd4: {  	v3 =	vld.idx.msk [tilespmem:v48+s28+$0x0], $0xffff  }
0xd5: {  	v1 =	vadd.f32 v8, v1  }
0xd6: {  	v9 =	vld.idx.msk [tilespmem:v49+s28+$0x0], $0xffff  }
0xd7: {  	v1 =	vadd.f32 v2, v1  }
0xd8: {  	v2 =	vld.idx.msk [tilespmem:v50+s28+$0x0], $0xffff  }
0xd9: {  	v1 =	vadd.f32 v3, v1  }
0xda: {  	v3 =	vld.idx.msk [tilespmem:v51+s28+$0x0], $0xffff  }
0xdb: {  	v1 =	vadd.f32 v9, v1  }
0xdc: {  	v10 =	vld.idx.msk [tilespmem:v52+s28+$0x0], $0xffff  }
0xdd: {  	v1 =	vadd.f32 v2, v1  }
0xde: {  	v2 =	vld.idx.msk [tilespmem:v53+s28+$0x0], $0xffff  }
0xdf: {  	v1 =	vadd.f32 v3, v1  }
0xe0: {  	v3 =	vld.idx.msk [tilespmem:v54+s28+$0x0], $0xffff  }
0xe1: {  	v1 =	vadd.f32 v10, v1  }
0xe2: {  	v11 =	vld.idx.msk [tilespmem:v55+s28+$0x0], $0xffff  }
0xe3: {  	v1 =	vadd.f32 v2, v1;
	_ =	sdelay $0x1  }
0xe4: {  	v1 =	vadd.f32 v3, v1;
	_ =	sdelay $0x1  }
0xe5: {  	v1 =	vadd.f32 v11, v1;
	_ =	sdelay $0x1  }
0xe6: {  	[tilespmem:$0x6B10] =	vst v1  }
0xe7: {  	v1 =	vld.idx.msk [tilespmem:v56+s28+$0x0], $0xffff  }
0xe8: {  	v2 =	vld.idx.msk [tilespmem:v57+s28+$0x0], $0xffff;
	_ =	sdelay $0x1  }
0xe9: {  	v3 =	vld.idx.msk [tilespmem:v58+s28+$0x0], $0xffff;
	_ =	sdelay $0x1  }
0xea: {  	v8 =	vld.idx.msk [tilespmem:v59+s28+$0x0], $0xffff  }
0xeb: {  	v1 =	vadd.f32 v2, v1  }
0xec: {  	v2 =	vld.idx.msk [tilespmem:v60+s28+$0x0], $0xffff  }
0xed: {  	v1 =	vadd.f32 v3, v1  }
0xee: {  	v3 =	vld.idx.msk [tilespmem:v61+s28+$0x0], $0xffff  }
0xef: {  	v9 =	vor.u32 $0x208, v21;
	v1 =	vadd.f32 v8, v1  }
0xf0: {  	v10 =	vld.idx.msk [tilespmem:v62+s28+$0x0], $0xffff  }
0xf1: {  	v1 =	vadd.f32 v2, v1;
	v2 =	vor.u32 $0x209, v21  }
0xf2: {  	v11 =	vld.idx.msk [tilespmem:v63+s28+$0x0], $0xffff  }
0xf3: {  	v1 =	vadd.f32 v3, v1;
	v3 =	vor.u32 $0x20A, v21  }
0xf4: {  	v4 =	vld.idx.msk [tilespmem:v9+s28+$0x0], $0xffff  }
0xf5: {  	v9 =	vor.u32 $0x20B, v21;
	v1 =	vadd.f32 v10, v1  }
0xf6: {  	v2 =	vld.idx.msk [tilespmem:v2+s28+$0x0], $0xffff  }
0xf7: {  	v10 =	vor.u32 $0x20C, v21;
	v1 =	vadd.f32 v11, v1  }
0xf8: {  	v3 =	vld.idx.msk [tilespmem:v3+s28+$0x0], $0xffff  }
0xf9: {  	v11 =	vor.u32 $0x20D, v21;
	v1 =	vadd.f32 v4, v1  }
0xfa: {  	v5 =	vld.idx.msk [tilespmem:v9+s28+$0x0], $0xffff  }
0xfb: {  	v1 =	vadd.f32 v2, v1;
	v2 =	vor.u32 $0x20E, v21  }
0xfc: {  	v6 =	vld.idx.msk [tilespmem:v10+s28+$0x0], $0xffff  }
0xfd: {  	v1 =	vadd.f32 v3, v1;
	v3 =	vor.u32 $0x20F, v21  }
0xfe: {  	v4 =	vld.idx.msk [tilespmem:v11+s28+$0x0], $0xffff  }
0xff: {  	v1 =	vadd.f32 v5, v1  }
0x100: {  	v2 =	vld.idx.msk [tilespmem:v2+s28+$0x0], $0xffff  }
0x101: {  	v1 =	vadd.f32 v6, v1  }
0x102: {  	v3 =	vld.idx.msk [tilespmem:v3+s28+$0x0], $0xffff  }
0x103: {  	v1 =	vadd.f32 v4, v1;
	_ =	sdelay $0x1  }
0x104: {  	v1 =	vadd.f32 v2, v1;
	v2 =	vor.u32 $0x300, v21  }
0x105: {  	v8 =	vor.u32 $0x301, v21  }
0x106: {  	v1 =	vadd.f32 v3, v1  }
0x107: {  	v3 =	vor.u32 $0x302, v21  }
0x108: {  	[tilespmem:$0x6B20] =	vst v1  }
0x109: {  	v1 =	vld.idx.msk [tilespmem:v2+s28+$0x0], $0xffff;
	v2 =	vor.u32 $0x303, v21  }
0x10a: {  	v4 =	vld.idx.msk [tilespmem:v8+s28+$0x0], $0xffff  }
0x10b: {  	v9 =	vor.u32 $0x304, v21  }
0x10c: {  	v3 =	vld.idx.msk [tilespmem:v3+s28+$0x0], $0xffff  }
0x10d: {  	v10 =	vor.u32 $0x305, v21  }
0x10e: {  	v2 =	vld.idx.msk [tilespmem:v2+s28+$0x0], $0xffff  }
0x10f: {  	v11 =	vor.u32 $0x306, v21;
	v1 =	vadd.f32 v4, v1  }
0x110: {  	v5 =	vld.idx.msk [tilespmem:v9+s28+$0x0], $0xffff  }
0x111: {  	v1 =	vadd.f32 v3, v1;
	v3 =	vor.u32 $0x307, v21  }
0x112: {  	v6 =	vld.idx.msk [tilespmem:v10+s28+$0x0], $0xffff  }
0x113: {  	v1 =	vadd.f32 v2, v1;
	v2 =	vor.u32 $0x308, v21  }
0x114: {  	v4 =	vld.idx.msk [tilespmem:v11+s28+$0x0], $0xffff  }
0x115: {  	v9 =	vor.u32 $0x309, v21;
	v1 =	vadd.f32 v5, v1  }
0x116: {  	v3 =	vld.idx.msk [tilespmem:v3+s28+$0x0], $0xffff  }
0x117: {  	v10 =	vor.u32 $0x30A, v21;
	v1 =	vadd.f32 v6, v1  }
0x118: {  	v2 =	vld.idx.msk [tilespmem:v2+s28+$0x0], $0xffff  }
0x119: {  	v11 =	vor.u32 $0x30B, v21;
	v1 =	vadd.f32 v4, v1  }
0x11a: {  	v5 =	vld.idx.msk [tilespmem:v9+s28+$0x0], $0xffff  }
0x11b: {  	v1 =	vadd.f32 v3, v1;
	v3 =	vor.u32 $0x30C, v21  }
0x11c: {  	v6 =	vld.idx.msk [tilespmem:v10+s28+$0x0], $0xffff  }
0x11d: {  	v1 =	vadd.f32 v2, v1;
	v2 =	vor.u32 $0x30D, v21  }
0x11e: {  	v4 =	vld.idx.msk [tilespmem:v11+s28+$0x0], $0xffff  }
0x11f: {  	v9 =	vor.u32 $0x30E, v21;
	v1 =	vadd.f32 v5, v1  }
0x120: {  	v3 =	vld.idx.msk [tilespmem:v3+s28+$0x0], $0xffff  }
0x121: {  	v10 =	vor.u32 $0x30F, v21;
	v1 =	vadd.f32 v6, v1  }
0x122: {  	v2 =	vld.idx.msk [tilespmem:v2+s28+$0x0], $0xffff  }
0x123: {  	v1 =	vadd.f32 v4, v1  }
0x124: {  	v11 =	vld.idx.msk [tilespmem:v9+s28+$0x0], $0xffff  }
0x125: {  	v1 =	vadd.f32 v3, v1  }
0x126: {  	v3 =	vld.idx.msk [tilespmem:v10+s28+$0x0], $0xffff  }
0x127: {  	v1 =	vadd.f32 v2, v1;
	_ =	sdelay $0x1  }
0x128: {  	v2 =	vor.u32 $0x400, v21;
	v1 =	vadd.f32 v11, v1  }
0x129: {  	v8 =	vor.u32 $0x401, v21  }
0x12a: {  	v1 =	vadd.f32 v3, v1  }
0x12b: {  	v3 =	vor.u32 $0x402, v21  }
0x12c: {  	[tilespmem:$0x6B30] =	vst v1  }
0x12d: {  	v1 =	vld.idx.msk [tilespmem:v2+s28+$0x0], $0xffff;
	v2 =	vor.u32 $0x403, v21  }
0x12e: {  	v4 =	vld.idx.msk [tilespmem:v8+s28+$0x0], $0xffff  }
0x12f: {  	v9 =	vor.u32 $0x404, v21  }
0x130: {  	v3 =	vld.idx.msk [tilespmem:v3+s28+$0x0], $0xffff  }
0x131: {  	v10 =	vor.u32 $0x405, v21  }
0x132: {  	v2 =	vld.idx.msk [tilespmem:v2+s28+$0x0], $0xffff  }
0x133: {  	v11 =	vor.u32 $0x406, v21;
	v1 =	vadd.f32 v4, v1  }
0x134: {  	v5 =	vld.idx.msk [tilespmem:v9+s28+$0x0], $0xffff  }
0x135: {  	v1 =	vadd.f32 v3, v1;
	v3 =	vor.u32 $0x407, v21  }
0x136: {  	v6 =	vld.idx.msk [tilespmem:v10+s28+$0x0], $0xffff  }
0x137: {  	v1 =	vadd.f32 v2, v1;
	v2 =	vor.u32 $0x408, v21  }
0x138: {  	v4 =	vld.idx.msk [tilespmem:v11+s28+$0x0], $0xffff  }
0x139: {  	v9 =	vor.u32 $0x409, v21;
	v1 =	vadd.f32 v5, v1  }
0x13a: {  	v3 =	vld.idx.msk [tilespmem:v3+s28+$0x0], $0xffff  }
0x13b: {  	v10 =	vor.u32 $0x40A, v21;
	v1 =	vadd.f32 v6, v1  }
0x13c: {  	v2 =	vld.idx.msk [tilespmem:v2+s28+$0x0], $0xffff  }
0x13d: {  	v11 =	vor.u32 $0x40B, v21;
	v1 =	vadd.f32 v4, v1  }
0x13e: {  	v5 =	vld.idx.msk [tilespmem:v9+s28+$0x0], $0xffff  }
0x13f: {  	v1 =	vadd.f32 v3, v1;
	v3 =	vor.u32 $0x40C, v21  }
0x140: {  	v6 =	vld.idx.msk [tilespmem:v10+s28+$0x0], $0xffff  }
0x141: {  	v1 =	vadd.f32 v2, v1;
	v2 =	vor.u32 $0x40D, v21  }
0x142: {  	v4 =	vld.idx.msk [tilespmem:v11+s28+$0x0], $0xffff  }
0x143: {  	v9 =	vor.u32 $0x40E, v21;
	v1 =	vadd.f32 v5, v1  }
0x144: {  	v3 =	vld.idx.msk [tilespmem:v3+s28+$0x0], $0xffff  }
0x145: {  	v10 =	vor.u32 $0x40F, v21;
	v1 =	vadd.f32 v6, v1  }
0x146: {  	v2 =	vld.idx.msk [tilespmem:v2+s28+$0x0], $0xffff  }
0x147: {  	v1 =	vadd.f32 v4, v1  }
0x148: {  	v11 =	vld.idx.msk [tilespmem:v9+s28+$0x0], $0xffff  }
0x149: {  	v1 =	vadd.f32 v3, v1  }
0x14a: {  	v3 =	vld.idx.msk [tilespmem:v10+s28+$0x0], $0xffff  }
0x14b: {  	v1 =	vadd.f32 v2, v1;
	_ =	sdelay $0x1  }
0x14c: {  	v2 =	vor.u32 $0x500, v21;
	v1 =	vadd.f32 v11, v1  }
0x14d: {  	v8 =	vor.u32 $0x501, v21  }
0x14e: {  	v1 =	vadd.f32 v3, v1  }
0x14f: {  	v3 =	vor.u32 $0x502, v21  }
0x150: {  	[tilespmem:$0x6B40] =	vst v1  }
0x151: {  	v1 =	vld.idx.msk [tilespmem:v2+s28+$0x0], $0xffff;
	v2 =	vor.u32 $0x503, v21  }
0x152: {  	v4 =	vld.idx.msk [tilespmem:v8+s28+$0x0], $0xffff  }
0x153: {  	v9 =	vor.u32 $0x504, v21  }
0x154: {  	v3 =	vld.idx.msk [tilespmem:v3+s28+$0x0], $0xffff  }
0x155: {  	v10 =	vor.u32 $0x505, v21  }
0x156: {  	v2 =	vld.idx.msk [tilespmem:v2+s28+$0x0], $0xffff  }
0x157: {  	v11 =	vor.u32 $0x506, v21;
	v1 =	vadd.f32 v4, v1  }
0x158: {  	v5 =	vld.idx.msk [tilespmem:v9+s28+$0x0], $0xffff  }
0x159: {  	v1 =	vadd.f32 v3, v1;
	v3 =	vor.u32 $0x507, v21  }
0x15a: {  	v6 =	vld.idx.msk [tilespmem:v10+s28+$0x0], $0xffff  }
0x15b: {  	v1 =	vadd.f32 v2, v1;
	v2 =	vor.u32 $0x508, v21  }
0x15c: {  	v4 =	vld.idx.msk [tilespmem:v11+s28+$0x0], $0xffff  }
0x15d: {  	v9 =	vor.u32 $0x509, v21;
	v1 =	vadd.f32 v5, v1  }
0x15e: {  	v3 =	vld.idx.msk [tilespmem:v3+s28+$0x0], $0xffff  }
0x15f: {  	v10 =	vor.u32 $0x50A, v21;
	v1 =	vadd.f32 v6, v1  }
0x160: {  	v2 =	vld.idx.msk [tilespmem:v2+s28+$0x0], $0xffff  }
0x161: {  	v11 =	vor.u32 $0x50B, v21;
	v1 =	vadd.f32 v4, v1  }
0x162: {  	v5 =	vld.idx.msk [tilespmem:v9+s28+$0x0], $0xffff  }
0x163: {  	v1 =	vadd.f32 v3, v1;
	v3 =	vor.u32 $0x50C, v21  }
0x164: {  	v6 =	vld.idx.msk [tilespmem:v10+s28+$0x0], $0xffff  }
0x165: {  	v1 =	vadd.f32 v2, v1;
	v2 =	vor.u32 $0x50D, v21  }
0x166: {  	v4 =	vld.idx.msk [tilespmem:v11+s28+$0x0], $0xffff  }
0x167: {  	v9 =	vor.u32 $0x50E, v21;
	v1 =	vadd.f32 v5, v1  }
0x168: {  	v3 =	vld.idx.msk [tilespmem:v3+s28+$0x0], $0xffff  }
0x169: {  	v10 =	vor.u32 $0x50F, v21;
	v1 =	vadd.f32 v6, v1  }
0x16a: {  	v2 =	vld.idx.msk [tilespmem:v2+s28+$0x0], $0xffff  }
0x16b: {  	v1 =	vadd.f32 v4, v1  }
0x16c: {  	v11 =	vld.idx.msk [tilespmem:v9+s28+$0x0], $0xffff  }
0x16d: {  	v1 =	vadd.f32 v3, v1  }
0x16e: {  	v3 =	vld.idx.msk [tilespmem:v10+s28+$0x0], $0xffff  }
0x16f: {  	v1 =	vadd.f32 v2, v1;
	_ =	sdelay $0x1  }
0x170: {  	v2 =	vor.u32 $0x600, v21;
	v1 =	vadd.f32 v11, v1  }
0x171: {  	v8 =	vor.u32 $0x601, v21  }
0x172: {  	v1 =	vadd.f32 v3, v1  }
0x173: {  	v3 =	vor.u32 $0x602, v21  }
0x174: {  	[tilespmem:$0x6B50] =	vst v1  }
0x175: {  	v1 =	vld.idx.msk [tilespmem:v2+s28+$0x0], $0xffff;
	v2 =	vor.u32 $0x603, v21  }
0x176: {  	v4 =	vld.idx.msk [tilespmem:v8+s28+$0x0], $0xffff  }
0x177: {  	v9 =	vor.u32 $0x604, v21  }
0x178: {  	v3 =	vld.idx.msk [tilespmem:v3+s28+$0x0], $0xffff  }
0x179: {  	v10 =	vor.u32 $0x605, v21  }
0x17a: {  	v2 =	vld.idx.msk [tilespmem:v2+s28+$0x0], $0xffff  }
0x17b: {  	v11 =	vor.u32 $0x606, v21;
	v1 =	vadd.f32 v4, v1  }
0x17c: {  	v5 =	vld.idx.msk [tilespmem:v9+s28+$0x0], $0xffff  }
0x17d: {  	v1 =	vadd.f32 v3, v1;
	v3 =	vor.u32 $0x607, v21  }
0x17e: {  	v6 =	vld.idx.msk [tilespmem:v10+s28+$0x0], $0xffff  }
0x17f: {  	v1 =	vadd.f32 v2, v1;
	v2 =	vor.u32 $0x608, v21  }
0x180: {  	v4 =	vld.idx.msk [tilespmem:v11+s28+$0x0], $0xffff  }
0x181: {  	v9 =	vor.u32 $0x609, v21;
	v1 =	vadd.f32 v5, v1  }
0x182: {  	v3 =	vld.idx.msk [tilespmem:v3+s28+$0x0], $0xffff  }
0x183: {  	v10 =	vor.u32 $0x60A, v21;
	v1 =	vadd.f32 v6, v1  }
0x184: {  	v2 =	vld.idx.msk [tilespmem:v2+s28+$0x0], $0xffff  }
0x185: {  	v11 =	vor.u32 $0x60B, v21;
	v1 =	vadd.f32 v4, v1  }
0x186: {  	v5 =	vld.idx.msk [tilespmem:v9+s28+$0x0], $0xffff  }
0x187: {  	v1 =	vadd.f32 v3, v1;
	v3 =	vor.u32 $0x60C, v21  }
0x188: {  	v6 =	vld.idx.msk [tilespmem:v10+s28+$0x0], $0xffff  }
0x189: {  	v1 =	vadd.f32 v2, v1;
	v2 =	vor.u32 $0x60D, v21  }
0x18a: {  	v4 =	vld.idx.msk [tilespmem:v11+s28+$0x0], $0xffff  }
0x18b: {  	v9 =	vor.u32 $0x60E, v21;
	v1 =	vadd.f32 v5, v1  }
0x18c: {  	v3 =	vld.idx.msk [tilespmem:v3+s28+$0x0], $0xffff  }
0x18d: {  	v10 =	vor.u32 $0x60F, v21;
	v1 =	vadd.f32 v6, v1  }
0x18e: {  	v2 =	vld.idx.msk [tilespmem:v2+s28+$0x0], $0xffff  }
0x18f: {  	v1 =	vadd.f32 v4, v1  }
0x190: {  	v11 =	vld.idx.msk [tilespmem:v9+s28+$0x0], $0xffff  }
0x191: {  	v1 =	vadd.f32 v3, v1  }
0x192: {  	v3 =	vld.idx.msk [tilespmem:v10+s28+$0x0], $0xffff  }
0x193: {  	v1 =	vadd.f32 v2, v1;
	_ =	sdelay $0x1  }
0x194: {  	v2 =	vor.u32 $0x700, v21;
	v1 =	vadd.f32 v11, v1  }
0x195: {  	v8 =	vor.u32 $0x701, v21  }
0x196: {  	v1 =	vadd.f32 v3, v1  }
0x197: {  	v3 =	vor.u32 $0x702, v21  }
0x198: {  	[tilespmem:$0x6B60] =	vst v1  }
0x199: {  	v1 =	vld.idx.msk [tilespmem:v2+s28+$0x0], $0xffff;
	v2 =	vor.u32 $0x703, v21  }
0x19a: {  	v4 =	vld.idx.msk [tilespmem:v8+s28+$0x0], $0xffff  }
0x19b: {  	v9 =	vor.u32 $0x704, v21  }
0x19c: {  	v3 =	vld.idx.msk [tilespmem:v3+s28+$0x0], $0xffff  }
0x19d: {  	v10 =	vor.u32 $0x705, v21  }
0x19e: {  	v2 =	vld.idx.msk [tilespmem:v2+s28+$0x0], $0xffff  }
0x19f: {  	v11 =	vor.u32 $0x706, v21;
	v1 =	vadd.f32 v4, v1  }
0x1a0: {  	v5 =	vld.idx.msk [tilespmem:v9+s28+$0x0], $0xffff  }
0x1a1: {  	v1 =	vadd.f32 v3, v1;
	v3 =	vor.u32 $0x707, v21  }
0x1a2: {  	v6 =	vld.idx.msk [tilespmem:v10+s28+$0x0], $0xffff  }
0x1a3: {  	v1 =	vadd.f32 v2, v1;
	v2 =	vor.u32 $0x708, v21  }
0x1a4: {  	v4 =	vld.idx.msk [tilespmem:v11+s28+$0x0], $0xffff  }
0x1a5: {  	v9 =	vor.u32 $0x709, v21;
	v1 =	vadd.f32 v5, v1  }
0x1a6: {  	v3 =	vld.idx.msk [tilespmem:v3+s28+$0x0], $0xffff  }
0x1a7: {  	v10 =	vor.u32 $0x70A, v21;
	v1 =	vadd.f32 v6, v1  }
0x1a8: {  	v2 =	vld.idx.msk [tilespmem:v2+s28+$0x0], $0xffff  }
0x1a9: {  	v11 =	vor.u32 $0x70B, v21;
	v1 =	vadd.f32 v4, v1  }
0x1aa: {  	v5 =	vld.idx.msk [tilespmem:v9+s28+$0x0], $0xffff  }
0x1ab: {  	v1 =	vadd.f32 v3, v1;
	v3 =	vor.u32 $0x70C, v21  }
0x1ac: {  	v6 =	vld.idx.msk [tilespmem:v10+s28+$0x0], $0xffff  }
0x1ad: {  	v1 =	vadd.f32 v2, v1;
	v2 =	vor.u32 $0x70D, v21  }
0x1ae: {  	v4 =	vld.idx.msk [tilespmem:v11+s28+$0x0], $0xffff  }
0x1af: {  	v9 =	vor.u32 $0x70E, v21;
	v1 =	vadd.f32 v5, v1  }
0x1b0: {  	v3 =	vld.idx.msk [tilespmem:v3+s28+$0x0], $0xffff  }
0x1b1: {  	v10 =	vor.u32 $0x70F, v21;
	v1 =	vadd.f32 v6, v1  }
0x1b2: {  	v2 =	vld.idx.msk [tilespmem:v2+s28+$0x0], $0xffff  }
0x1b3: {  	v1 =	vadd.f32 v4, v1  }
0x1b4: {  	v11 =	vld.idx.msk [tilespmem:v9+s28+$0x0], $0xffff  }
0x1b5: {  	v1 =	vadd.f32 v3, v1  }
0x1b6: {  	v3 =	vld.idx.msk [tilespmem:v10+s28+$0x0], $0xffff  }
0x1b7: {  	v1 =	vadd.f32 v2, v1;
	_ =	sdelay $0x1  }
0x1b8: {  	v1 =	vadd.f32 v11, v1;
	_ =	sdelay $0x1  }
0x1b9: {  	s30 =	sadd.s32 $0x1, s30;
	v1 =	vadd.f32 v3, v1  }
0x1ba: {  	p0 =	sne.s32 s30, s9  }
.Ltmp1:
0x1bb: {  	[tilespmem:$0x6B70] =	vst v1;
	(pc) =	sbr.rel @p0 .LBB2_1-.Ltmp1, $4  }
0x1bc: {  	[hbm4b:s8+s2] =	stream.linear.scatter [tilespmem:s29], [sflag:$0x7], $0x80, $0x38;
	[tilespmem:$0x6B80] =	vst v63  }
0x1bd: {  	_ =	swait.ge [sflag:s10], $0x80  }
0x1be: {  	[sflag:s10] =	ssyncset.done $0x0  }
0x1bf: {  	[sflag:s10] =	ssyncadd.s32 $0xFFFFFF80  }
0x1c0: {  	_ =	sfence.sel $0x180000  }
0x1c1: {  	[bflag:$0x0] =	sbarrier.arrive $0xFFFF  }
0x1c2: {  	_ =	strace $0x90000047  }
0x1c3: {  	s0 =	stileid.u32;
	[bflag:$0x2] =	sbarrier.arrive $0xFFFF  }
0x1c4: {  	p0 =	sne.s32 s0, $0x0;
	s0 =	rddreg [dreg:$0x2]  }
0x1c5: {  	s0 =	sadd.s32 @!p0 $0x100000, s0  }
0x1c6: {  	[sflag:s0] =	ssyncadd.tile.s32 @!p0 $0x1;
	_ =	shalt  }
.Lfunc_end2:
_tile_overlayer_lowered:
.L_overlay_start_2:
0x1c7: {  	(tag) =	ssettag $0x2  }
0x1c8: {  	s0 =	rddreg [dreg:$0x0];
	s2 =	stileid.u32  }
0x1c9: {  	s1 =	rddreg [dreg:$0x1];
	p0 =	sne.s32 s2, $0x0  }
0x1ca: {  	s3 =	rddreg [dreg:$0x2];
	[bflag:$0x3] =	sbarrier.arrive $0xFFFF;
	s2 =	simm.s32 @!p0 $0x1C07  }
0x1cb: {  	[timem:s3], [sflag:s2] =	dma.local @!p0 [hbm:s0], s1  }
0x1cc: {  	s0 =	simm.s32 @!p0 $0x7  }
0x1cd: {  	_ =	swait.ge @!p0 [sflag:s0], s1  }
0x1ce: {  	s1 =	ssub.s32 @!p0 $0x0, s1;
	[sflag:s0] =	ssyncset.done @!p0 $0x0  }
0x1cf: {  	[sflag:s0] =	ssyncadd.s32 @!p0 s1  }
0x1d0: {  	[bflag:$0x3] =	sbarrier.arrive $0xFFFF  }
0x1d1: {  	_ =	shalt  }

</sc_bundles>
